<compile_context>
chip_gen: v7x
topology: tpu7x:2x2x1
jax: 0.10.2.dev20260603
libtpu: 0.0.44.dev20260713+nightly
codegen_flags: <defaults>
</compile_context>

<pallas_src>
import functools

import jax
import jax.numpy as jnp
from jax import lax
from jax.experimental import pallas as pl
from jax.experimental.pallas import tpu as pltpu
from jax.experimental.pallas import tpu_sc as plsc

BATCH = 16384
EMBED = 64
PAIR = 2 * EMBED
HID = 32

NUM_CORES = 2
NUM_SUBCORES = 16
NUM_WORKERS = NUM_CORES * NUM_SUBCORES
B_PER_W = BATCH // NUM_WORKERS

CHUNK = 64
NCHUNK = B_PER_W // CHUNK

ROW_BLOCK = 2048


def _gather_body(uids_hbm, iids_hbm, utab_hbm, itab_hbm, uout_hbm, iout_hbm,
                 uidx_v, iidx_v, ubuf0, ubuf1, ibuf0, ibuf1,
                 ugsem, igsem, uwsem, iwsem):
    wid = lax.axis_index("s") * NUM_CORES + lax.axis_index("c")
    base = wid * B_PER_W
    pltpu.sync_copy(uids_hbm.at[pl.ds(base, B_PER_W)], uidx_v)
    pltpu.sync_copy(iids_hbm.at[pl.ds(base, B_PER_W)], iidx_v)

    ubufs = (ubuf0, ubuf1)
    ibufs = (ibuf0, ibuf1)

    def gather(c, b):
        ucp = pltpu.async_copy(
            utab_hbm.at[uidx_v.at[pl.ds(c * CHUNK, CHUNK)]], ubufs[b], ugsem)
        icp = pltpu.async_copy(
            itab_hbm.at[iidx_v.at[pl.ds(c * CHUNK, CHUNK)]], ibufs[b], igsem)
        return ucp, icp

    def write(c, b):
        dst = pl.ds(base + c * CHUNK, CHUNK)
        ucp = pltpu.async_copy(ubufs[b], uout_hbm.at[dst], uwsem)
        icp = pltpu.async_copy(ibufs[b], iout_hbm.at[dst], iwsem)
        return ucp, icp

    pend_g = gather(0, 0)
    pend_w = [None, None]
    for c in range(NCHUNK):
        b = c & 1
        pend_g[0].wait()
        pend_g[1].wait()
        if c + 1 < NCHUNK:
            if pend_w[b ^ 1] is not None:
                pend_w[b ^ 1][0].wait()
                pend_w[b ^ 1][1].wait()
            pend_g = gather(c + 1, b ^ 1)
        pend_w[b] = write(c, b)
    for pw in pend_w:
        if pw is not None:
            pw[0].wait()
            pw[1].wait()


_sc_gather = functools.partial(
    pl.kernel,
    out_type=[
        jax.ShapeDtypeStruct((BATCH, PAIR), jnp.float32),
        jax.ShapeDtypeStruct((BATCH, PAIR), jnp.float32),
    ],
    mesh=plsc.VectorSubcoreMesh(core_axis_name="c", subcore_axis_name="s"),
    scratch_types=[
        pltpu.VMEM((B_PER_W,), jnp.int32),
        pltpu.VMEM((B_PER_W,), jnp.int32),
        pltpu.VMEM((CHUNK, PAIR), jnp.float32),
        pltpu.VMEM((CHUNK, PAIR), jnp.float32),
        pltpu.VMEM((CHUNK, PAIR), jnp.float32),
        pltpu.VMEM((CHUNK, PAIR), jnp.float32),
        pltpu.SemaphoreType.DMA,
        pltpu.SemaphoreType.DMA,
        pltpu.SemaphoreType.DMA,
        pltpu.SemaphoreType.DMA,
    ],
)(_gather_body)


def _mlp_body(up_ref, ip_ref, urow_ref, irow_ref, uW1_ref, ub1_ref, uW2_ref,
              ub2_ref, iW1_ref, ib1_ref, iW2_ref, ib2_ref, out_ref):
    up = up_ref[...]
    ip = ip_ref[...]
    urow = urow_ref[...]
    irow = irow_ref[...]
    ue = urow[:, :EMBED] * (1.0 - up) + urow[:, EMBED:] * up
    ie = irow[:, :EMBED] * (1.0 - ip) + irow[:, EMBED:] * ip
    uh = jnp.maximum(
        jnp.dot(ue, uW1_ref[...], preferred_element_type=jnp.float32)
        + ub1_ref[...], 0.0)
    uv = jnp.dot(uh, uW2_ref[...], preferred_element_type=jnp.float32) \
        + ub2_ref[...]
    ih = jnp.maximum(
        jnp.dot(ie, iW1_ref[...], preferred_element_type=jnp.float32)
        + ib1_ref[...], 0.0)
    iv = jnp.dot(ih, iW2_ref[...], preferred_element_type=jnp.float32) \
        + ib2_ref[...]
    un = jnp.sqrt(jnp.sum(uv * uv, axis=1))
    iN = jnp.sqrt(jnp.sum(iv * iv, axis=1))
    dot = jnp.sum(uv * iv, axis=1)
    eps = jnp.float32(1e-12)
    out_ref[...] = dot / (jnp.maximum(un, eps) * jnp.maximum(iN, eps))


def _mlp_call(up, ip, urow, irow, uW1, ub1, uW2, ub2, iW1, ib1, iW2, ib2):
    n_blocks = BATCH // ROW_BLOCK
    w_spec = lambda shape: pl.BlockSpec(shape, lambda i: (0,) * len(shape))
    return pl.pallas_call(
        _mlp_body,
        grid=(n_blocks,),
        in_specs=[
            pl.BlockSpec((ROW_BLOCK, 1), lambda i: (i, 0)),
            pl.BlockSpec((ROW_BLOCK, 1), lambda i: (i, 0)),
            pl.BlockSpec((ROW_BLOCK, PAIR), lambda i: (i, 0)),
            pl.BlockSpec((ROW_BLOCK, PAIR), lambda i: (i, 0)),
            w_spec((EMBED, HID)),
            w_spec((1, HID)),
            w_spec((HID, HID)),
            w_spec((1, HID)),
            w_spec((EMBED, HID)),
            w_spec((1, HID)),
            w_spec((HID, HID)),
            w_spec((1, HID)),
        ],
        out_specs=pl.BlockSpec((ROW_BLOCK,), lambda i: (i,)),
        out_shape=jax.ShapeDtypeStruct((BATCH,), jnp.float32),
    )(up, ip, urow, irow, uW1, ub1, uW2, ub2, iW1, ib1, iW2, ib2)


def kernel(user_ids, item_ids, user_table, item_table,
           uW1, ub1, uW2, ub2, iW1, ib1, iW2, ib2):
    uids = user_ids.astype(jnp.int32)
    iids = item_ids.astype(jnp.int32)
    utab2 = user_table.reshape(-1, PAIR)
    itab2 = item_table.reshape(-1, PAIR)
    urow, irow = _sc_gather(uids >> 1, iids >> 1, utab2, itab2)
    up = (uids & 1).astype(jnp.float32).reshape(BATCH, 1)
    ip = (iids & 1).astype(jnp.float32).reshape(BATCH, 1)
    return _mlp_call(up, ip, urow, irow,
                     uW1, ub1.reshape(1, HID), uW2, ub2.reshape(1, HID),
                     iW1, ib1.reshape(1, HID), iW2, ib2.reshape(1, HID))

# --- scband reference (transcript-rebuilt; emitter-appended) ---
"""Pipeline reference for scband-two-tower-model-20607253086700 (READ-ONLY COPY).

The authoritative reference and input builder live on the scoring server;
editing this copy changes nothing except your own understanding.
"""

import jax, jax.numpy as jnp
import numpy as np

NUM_USERS = 1000000
NUM_ITEMS = 1000000
EMBED_DIM = 64
HIDDEN_DIM = 32
BATCH = 16384


def setup_inputs(seed: int = 0) -> dict:
    key = jax.random.key(seed)
    ks = [jax.random.fold_in(key, i) for i in range(12)]
    user_ids = jax.random.randint(ks[0], (BATCH,), 0, NUM_USERS, dtype=jnp.int64 if jax.config.jax_enable_x64 else jnp.int32)
    item_ids = jax.random.randint(ks[1], (BATCH,), 0, NUM_ITEMS, dtype=jnp.int64 if jax.config.jax_enable_x64 else jnp.int32)
    user_table = jax.random.normal(ks[2], (NUM_USERS, EMBED_DIM), dtype=jnp.float32) * 0.05
    item_table = jax.random.normal(ks[3], (NUM_ITEMS, EMBED_DIM), dtype=jnp.float32) * 0.05
    uW1 = jax.random.normal(ks[4], (EMBED_DIM, HIDDEN_DIM), dtype=jnp.float32) * (1.0 / np.sqrt(EMBED_DIM))
    ub1 = jnp.zeros((HIDDEN_DIM,), dtype=jnp.float32)
    uW2 = jax.random.normal(ks[5], (HIDDEN_DIM, HIDDEN_DIM), dtype=jnp.float32) * (1.0 / np.sqrt(HIDDEN_DIM))
    ub2 = jnp.zeros((HIDDEN_DIM,), dtype=jnp.float32)
    iW1 = jax.random.normal(ks[6], (EMBED_DIM, HIDDEN_DIM), dtype=jnp.float32) * (1.0 / np.sqrt(EMBED_DIM))
    ib1 = jnp.zeros((HIDDEN_DIM,), dtype=jnp.float32)
    iW2 = jax.random.normal(ks[7], (HIDDEN_DIM, HIDDEN_DIM), dtype=jnp.float32) * (1.0 / np.sqrt(HIDDEN_DIM))
    ib2 = jnp.zeros((HIDDEN_DIM,), dtype=jnp.float32)
    return {"user_ids": user_ids, "item_ids": item_ids,
            "user_table": user_table, "item_table": item_table,
            "uW1": uW1, "ub1": ub1, "uW2": uW2, "ub2": ub2,
            "iW1": iW1, "ib1": ib1, "iW2": iW2, "ib2": ib2}


def _l2_normalize(x, eps=1e-12):
    norm = jnp.sqrt(jnp.sum(x * x, axis=1, keepdims=True))
    return x / jnp.maximum(norm, eps)


def reference(user_ids, item_ids, user_table, item_table, uW1, ub1, uW2, ub2, iW1, ib1, iW2, ib2):
    u_emb = jnp.take(user_table, user_ids, axis=0)
    u_h = jax.nn.relu(u_emb @ uW1 + ub1)
    u_vec = u_h @ uW2 + ub2
    i_emb = jnp.take(item_table, item_ids, axis=0)
    i_h = jax.nn.relu(i_emb @ iW1 + ib1)
    i_vec = i_h @ iW2 + ib2
    u_vec = _l2_normalize(u_vec)
    i_vec = _l2_normalize(i_vec)
    score = jnp.sum(u_vec * i_vec, axis=1)
    return score

if __name__ == "__main__":
    import jax
    _d = setup_inputs()
    print(jax.jit(kernel)(*tuple(_d.values())))

</pallas_src>

<mosaic_0001>
#map = affine_map<(d0, d1) -> (0)>
#map1 = affine_map<(d0, d1) -> (0, 0)>
module attributes {stable_mosaic.version = 14 : i64} {
  func.func @_gather_body(%arg0: i32, %arg1: i32, %arg2: memref<16384xi32, #tpu.memory_space<hbm>>, %arg3: memref<16384xi32, #tpu.memory_space<hbm>>, %arg4: memref<500000x128xf32, #tpu.memory_space<hbm>>, %arg5: memref<500000x128xf32, #tpu.memory_space<hbm>>, %arg6: memref<16384x128xf32, #tpu.memory_space<hbm>>, %arg7: memref<16384x128xf32, #tpu.memory_space<hbm>>, %arg8: memref<512xi32, #tpu.memory_space<vmem>>, %arg9: memref<512xi32, #tpu.memory_space<vmem>>, %arg10: memref<64x128xf32, #tpu.memory_space<vmem>>, %arg11: memref<64x128xf32, #tpu.memory_space<vmem>>, %arg12: memref<64x128xf32, #tpu.memory_space<vmem>>, %arg13: memref<64x128xf32, #tpu.memory_space<vmem>>, %arg14: memref<!tpu.dma_semaphore, #tpu.memory_space<semaphore_mem>>, %arg15: memref<!tpu.dma_semaphore, #tpu.memory_space<semaphore_mem>>, %arg16: memref<!tpu.dma_semaphore, #tpu.memory_space<semaphore_mem>>, %arg17: memref<!tpu.dma_semaphore, #tpu.memory_space<semaphore_mem>>) attributes {dimension_semantics = [#tpu.dimension_semantics<core_parallel>, #tpu.dimension_semantics<subcore_parallel>], iteration_bounds = array<i64: 2, 16>, scalar_prefetch = 0 : i64, scratch_operands = 10 : i64, tpu.core_type = #tpu.core_type<sc_vector_subcore>, window_params = [{transform_indices = #map}, {transform_indices = #map}, {transform_indices = #map1}, {transform_indices = #map1}, {transform_indices = #map1}, {transform_indices = #map1}]} {
    %mul3A = arith.constant 2 : i32
    %mul3A_0 = arith.muli %arg1, %mul3A : i32
    %add3A = arith.addi %mul3A_0, %arg0 : i32
    %mul3A_1 = arith.constant 512 : i32
    %mul3A_2 = arith.muli %add3A, %mul3A_1 : i32
    "tpu.region"() ({
      %run_scoped3A = tpu.sem_alloc : memref<!tpu.dma_semaphore, #tpu.memory_space<semaphore_mem>>
      %dma_start3A_305 = tpu.memref_slice %arg2[%mul3A_2] : memref<16384xi32, #tpu.memory_space<hbm>> -> memref<512xi32, #tpu.memory_space<hbm>>
      %dma_start3A_306 = tpu.memref_slice %arg2[%mul3A_2] : memref<16384xi32, #tpu.memory_space<hbm>> -> memref<512xi32, #tpu.memory_space<hbm>>
      tpu.enqueue_dma source(%dma_start3A_306 : memref<512xi32, #tpu.memory_space<hbm>>) target(%arg8 : memref<512xi32, #tpu.memory_space<vmem>>) target_semaphore(%run_scoped3A : memref<!tpu.dma_semaphore, #tpu.memory_space<semaphore_mem>>)
      %dma_wait3A_307 = tpu.memref_slice %arg2[%mul3A_2] : memref<16384xi32, #tpu.memory_space<hbm>> -> memref<512xi32, #tpu.memory_space<hbm>>
      %dma_wait3A_308 = tpu.memref_slice %arg2[%mul3A_2] : memref<16384xi32, #tpu.memory_space<hbm>> -> memref<512xi32, #tpu.memory_space<hbm>>
      tpu.wait_dma2 semaphore(%run_scoped3A : memref<!tpu.dma_semaphore, #tpu.memory_space<semaphore_mem>>) src(%dma_wait3A_308 : memref<512xi32, #tpu.memory_space<hbm>>) dst(%arg8 : memref<512xi32, #tpu.memory_space<vmem>>)
      tpu.yield
    }) : () -> ()
    "tpu.region"() ({
      %run_scoped3A = tpu.sem_alloc : memref<!tpu.dma_semaphore, #tpu.memory_space<semaphore_mem>>
      %dma_start3A_305 = tpu.memref_slice %arg3[%mul3A_2] : memref<16384xi32, #tpu.memory_space<hbm>> -> memref<512xi32, #tpu.memory_space<hbm>>
      %dma_start3A_306 = tpu.memref_slice %arg3[%mul3A_2] : memref<16384xi32, #tpu.memory_space<hbm>> -> memref<512xi32, #tpu.memory_space<hbm>>
      tpu.enqueue_dma source(%dma_start3A_306 : memref<512xi32, #tpu.memory_space<hbm>>) target(%arg9 : memref<512xi32, #tpu.memory_space<vmem>>) target_semaphore(%run_scoped3A : memref<!tpu.dma_semaphore, #tpu.memory_space<semaphore_mem>>)
      %dma_wait3A_307 = tpu.memref_slice %arg3[%mul3A_2] : memref<16384xi32, #tpu.memory_space<hbm>> -> memref<512xi32, #tpu.memory_space<hbm>>
      %dma_wait3A_308 = tpu.memref_slice %arg3[%mul3A_2] : memref<16384xi32, #tpu.memory_space<hbm>> -> memref<512xi32, #tpu.memory_space<hbm>>
      tpu.wait_dma2 semaphore(%run_scoped3A : memref<!tpu.dma_semaphore, #tpu.memory_space<semaphore_mem>>) src(%dma_wait3A_308 : memref<512xi32, #tpu.memory_space<hbm>>) dst(%arg9 : memref<512xi32, #tpu.memory_space<vmem>>)
      tpu.yield
    }) : () -> ()
    %dma_start3A = arith.constant 0 : i32
    %dma_start3A_3 = tpu.memref_slice %arg8[%dma_start3A] : memref<512xi32, #tpu.memory_space<vmem>> -> memref<64xi32, #tpu.memory_space<vmem>>
    %dma_start3A_4 = arith.constant 0 : i32
    %dma_start3A_5 = arith.constant 0 : i32
    %dma_start3A_6 = tpu.memref_slice %arg4[%dma_start3A_4, %dma_start3A_5] : memref<500000x128xf32, #tpu.memory_space<hbm>> -> memref<500000x128xf32, #tpu.memory_space<hbm>>
    tpu.enqueue_indirect_dma source(%dma_start3A_6 : memref<500000x128xf32, #tpu.memory_space<hbm>>) target(%arg10 : memref<64x128xf32, #tpu.memory_space<vmem>>) offsets(%dma_start3A_3 : memref<64xi32, #tpu.memory_space<vmem>>) semaphore(%arg14 : memref<!tpu.dma_semaphore, #tpu.memory_space<semaphore_mem>>)
    %dma_start3A_7 = arith.constant 0 : i32
    %dma_start3A_8 = tpu.memref_slice %arg9[%dma_start3A_7] : memref<512xi32, #tpu.memory_space<vmem>> -> memref<64xi32, #tpu.memory_space<vmem>>
    %dma_start3A_9 = arith.constant 0 : i32
    %dma_start3A_10 = arith.constant 0 : i32
    %dma_start3A_11 = tpu.memref_slice %arg5[%dma_start3A_9, %dma_start3A_10] : memref<500000x128xf32, #tpu.memory_space<hbm>> -> memref<500000x128xf32, #tpu.memory_space<hbm>>
    tpu.enqueue_indirect_dma source(%dma_start3A_11 : memref<500000x128xf32, #tpu.memory_space<hbm>>) target(%arg12 : memref<64x128xf32, #tpu.memory_space<vmem>>) offsets(%dma_start3A_8 : memref<64xi32, #tpu.memory_space<vmem>>) semaphore(%arg15 : memref<!tpu.dma_semaphore, #tpu.memory_space<semaphore_mem>>)
    %dma_wait3A = arith.constant 0 : i32
    %dma_wait3A_12 = tpu.memref_slice %arg8[%dma_wait3A] : memref<512xi32, #tpu.memory_space<vmem>> -> memref<64xi32, #tpu.memory_space<vmem>>
    %dma_wait3A_13 = arith.constant 0 : i32
    %dma_wait3A_14 = arith.constant 0 : i32
    %dma_wait3A_15 = tpu.memref_slice %arg4[%dma_wait3A_13, %dma_wait3A_14] : memref<500000x128xf32, #tpu.memory_space<hbm>> -> memref<500000x128xf32, #tpu.memory_space<hbm>>
    tpu.wait_indirect_dma semaphore(%arg14 : memref<!tpu.dma_semaphore, #tpu.memory_space<semaphore_mem>>) src(%dma_wait3A_15 : memref<500000x128xf32, #tpu.memory_space<hbm>>) dst(%arg10 : memref<64x128xf32, #tpu.memory_space<vmem>>)
    %dma_wait3A_16 = arith.constant 0 : i32
    %dma_wait3A_17 = tpu.memref_slice %arg9[%dma_wait3A_16] : memref<512xi32, #tpu.memory_space<vmem>> -> memref<64xi32, #tpu.memory_space<vmem>>
    %dma_wait3A_18 = arith.constant 0 : i32
    %dma_wait3A_19 = arith.constant 0 : i32
    %dma_wait3A_20 = tpu.memref_slice %arg5[%dma_wait3A_18, %dma_wait3A_19] : memref<500000x128xf32, #tpu.memory_space<hbm>> -> memref<500000x128xf32, #tpu.memory_space<hbm>>
    tpu.wait_indirect_dma semaphore(%arg15 : memref<!tpu.dma_semaphore, #tpu.memory_space<semaphore_mem>>) src(%dma_wait3A_20 : memref<500000x128xf32, #tpu.memory_space<hbm>>) dst(%arg12 : memref<64x128xf32, #tpu.memory_space<vmem>>)
    %dma_start3A_21 = arith.constant 64 : i32
    %dma_start3A_22 = tpu.memref_slice %arg8[%dma_start3A_21] : memref<512xi32, #tpu.memory_space<vmem>> -> memref<64xi32, #tpu.memory_space<vmem>>
    %dma_start3A_23 = arith.constant 0 : i32
    %dma_start3A_24 = arith.constant 0 : i32
    %dma_start3A_25 = tpu.memref_slice %arg4[%dma_start3A_23, %dma_start3A_24] : memref<500000x128xf32, #tpu.memory_space<hbm>> -> memref<500000x128xf32, #tpu.memory_space<hbm>>
    tpu.enqueue_indirect_dma source(%dma_start3A_25 : memref<500000x128xf32, #tpu.memory_space<hbm>>) target(%arg11 : memref<64x128xf32, #tpu.memory_space<vmem>>) offsets(%dma_start3A_22 : memref<64xi32, #tpu.memory_space<vmem>>) semaphore(%arg14 : memref<!tpu.dma_semaphore, #tpu.memory_space<semaphore_mem>>)
    %dma_start3A_26 = arith.constant 64 : i32
    %dma_start3A_27 = tpu.memref_slice %arg9[%dma_start3A_26] : memref<512xi32, #tpu.memory_space<vmem>> -> memref<64xi32, #tpu.memory_space<vmem>>
    %dma_start3A_28 = arith.constant 0 : i32
    %dma_start3A_29 = arith.constant 0 : i32
    %dma_start3A_30 = tpu.memref_slice %arg5[%dma_start3A_28, %dma_start3A_29] : memref<500000x128xf32, #tpu.memory_space<hbm>> -> memref<500000x128xf32, #tpu.memory_space<hbm>>
    tpu.enqueue_indirect_dma source(%dma_start3A_30 : memref<500000x128xf32, #tpu.memory_space<hbm>>) target(%arg13 : memref<64x128xf32, #tpu.memory_space<vmem>>) offsets(%dma_start3A_27 : memref<64xi32, #tpu.memory_space<vmem>>) semaphore(%arg15 : memref<!tpu.dma_semaphore, #tpu.memory_space<semaphore_mem>>)
    %add3A_31 = arith.constant 0 : i32
    %add3A_32 = arith.addi %mul3A_2, %add3A_31 : i32
    %dma_start3A_33 = arith.constant 0 : i32
    %dma_start3A_34 = tpu.memref_slice %arg6[%add3A_32, %dma_start3A_33] : memref<16384x128xf32, #tpu.memory_space<hbm>> -> memref<64x128xf32, #tpu.memory_space<hbm>>
    %dma_start3A_35 = arith.constant 0 : i32
    %dma_start3A_36 = tpu.memref_slice %arg6[%add3A_32, %dma_start3A_35] : memref<16384x128xf32, #tpu.memory_space<hbm>> -> memref<64x128xf32, #tpu.memory_space<hbm>>
    tpu.enqueue_dma source(%arg10 : memref<64x128xf32, #tpu.memory_space<vmem>>) target(%dma_start3A_36 : memref<64x128xf32, #tpu.memory_space<hbm>>) target_semaphore(%arg16 : memref<!tpu.dma_semaphore, #tpu.memory_space<semaphore_mem>>)
    %dma_start3A_37 = arith.constant 0 : i32
    %dma_start3A_38 = tpu.memref_slice %arg7[%add3A_32, %dma_start3A_37] : memref<16384x128xf32, #tpu.memory_space<hbm>> -> memref<64x128xf32, #tpu.memory_space<hbm>>
    %dma_start3A_39 = arith.constant 0 : i32
    %dma_start3A_40 = tpu.memref_slice %arg7[%add3A_32, %dma_start3A_39] : memref<16384x128xf32, #tpu.memory_space<hbm>> -> memref<64x128xf32, #tpu.memory_space<hbm>>
    tpu.enqueue_dma source(%arg12 : memref<64x128xf32, #tpu.memory_space<vmem>>) target(%dma_start3A_40 : memref<64x128xf32, #tpu.memory_space<hbm>>) target_semaphore(%arg17 : memref<!tpu.dma_semaphore, #tpu.memory_space<semaphore_mem>>)
    %dma_wait3A_41 = arith.constant 64 : i32
    %dma_wait3A_42 = tpu.memref_slice %arg8[%dma_wait3A_41] : memref<512xi32, #tpu.memory_space<vmem>> -> memref<64xi32, #tpu.memory_space<vmem>>
    %dma_wait3A_43 = arith.constant 0 : i32
    %dma_wait3A_44 = arith.constant 0 : i32
    %dma_wait3A_45 = tpu.memref_slice %arg4[%dma_wait3A_43, %dma_wait3A_44] : memref<500000x128xf32, #tpu.memory_space<hbm>> -> memref<500000x128xf32, #tpu.memory_space<hbm>>
    tpu.wait_indirect_dma semaphore(%arg14 : memref<!tpu.dma_semaphore, #tpu.memory_space<semaphore_mem>>) src(%dma_wait3A_45 : memref<500000x128xf32, #tpu.memory_space<hbm>>) dst(%arg11 : memref<64x128xf32, #tpu.memory_space<vmem>>)
    %dma_wait3A_46 = arith.constant 64 : i32
    %dma_wait3A_47 = tpu.memref_slice %arg9[%dma_wait3A_46] : memref<512xi32, #tpu.memory_space<vmem>> -> memref<64xi32, #tpu.memory_space<vmem>>
    %dma_wait3A_48 = arith.constant 0 : i32
    %dma_wait3A_49 = arith.constant 0 : i32
    %dma_wait3A_50 = tpu.memref_slice %arg5[%dma_wait3A_48, %dma_wait3A_49] : memref<500000x128xf32, #tpu.memory_space<hbm>> -> memref<500000x128xf32, #tpu.memory_space<hbm>>
    tpu.wait_indirect_dma semaphore(%arg15 : memref<!tpu.dma_semaphore, #tpu.memory_space<semaphore_mem>>) src(%dma_wait3A_50 : memref<500000x128xf32, #tpu.memory_space<hbm>>) dst(%arg13 : memref<64x128xf32, #tpu.memory_space<vmem>>)
    %dma_wait3A_51 = arith.constant 0 : i32
    %dma_wait3A_52 = tpu.memref_slice %arg6[%add3A_32, %dma_wait3A_51] : memref<16384x128xf32, #tpu.memory_space<hbm>> -> memref<64x128xf32, #tpu.memory_space<hbm>>
    %dma_wait3A_53 = arith.constant 0 : i32
    %dma_wait3A_54 = tpu.memref_slice %arg6[%add3A_32, %dma_wait3A_53] : memref<16384x128xf32, #tpu.memory_space<hbm>> -> memref<64x128xf32, #tpu.memory_space<hbm>>
    tpu.wait_dma2 semaphore(%arg16 : memref<!tpu.dma_semaphore, #tpu.memory_space<semaphore_mem>>) src(%arg10 : memref<64x128xf32, #tpu.memory_space<vmem>>) dst(%dma_wait3A_54 : memref<64x128xf32, #tpu.memory_space<hbm>>)
    %dma_wait3A_55 = arith.constant 0 : i32
    %dma_wait3A_56 = tpu.memref_slice %arg7[%add3A_32, %dma_wait3A_55] : memref<16384x128xf32, #tpu.memory_space<hbm>> -> memref<64x128xf32, #tpu.memory_space<hbm>>
    %dma_wait3A_57 = arith.constant 0 : i32
    %dma_wait3A_58 = tpu.memref_slice %arg7[%add3A_32, %dma_wait3A_57] : memref<16384x128xf32, #tpu.memory_space<hbm>> -> memref<64x128xf32, #tpu.memory_space<hbm>>
    tpu.wait_dma2 semaphore(%arg17 : memref<!tpu.dma_semaphore, #tpu.memory_space<semaphore_mem>>) src(%arg12 : memref<64x128xf32, #tpu.memory_space<vmem>>) dst(%dma_wait3A_58 : memref<64x128xf32, #tpu.memory_space<hbm>>)
    %dma_start3A_59 = arith.constant 128 : i32
    %dma_start3A_60 = tpu.memref_slice %arg8[%dma_start3A_59] : memref<512xi32, #tpu.memory_space<vmem>> -> memref<64xi32, #tpu.memory_space<vmem>>
    %dma_start3A_61 = arith.constant 0 : i32
    %dma_start3A_62 = arith.constant 0 : i32
    %dma_start3A_63 = tpu.memref_slice %arg4[%dma_start3A_61, %dma_start3A_62] : memref<500000x128xf32, #tpu.memory_space<hbm>> -> memref<500000x128xf32, #tpu.memory_space<hbm>>
    tpu.enqueue_indirect_dma source(%dma_start3A_63 : memref<500000x128xf32, #tpu.memory_space<hbm>>) target(%arg10 : memref<64x128xf32, #tpu.memory_space<vmem>>) offsets(%dma_start3A_60 : memref<64xi32, #tpu.memory_space<vmem>>) semaphore(%arg14 : memref<!tpu.dma_semaphore, #tpu.memory_space<semaphore_mem>>)
    %dma_start3A_64 = arith.constant 128 : i32
    %dma_start3A_65 = tpu.memref_slice %arg9[%dma_start3A_64] : memref<512xi32, #tpu.memory_space<vmem>> -> memref<64xi32, #tpu.memory_space<vmem>>
    %dma_start3A_66 = arith.constant 0 : i32
    %dma_start3A_67 = arith.constant 0 : i32
    %dma_start3A_68 = tpu.memref_slice %arg5[%dma_start3A_66, %dma_start3A_67] : memref<500000x128xf32, #tpu.memory_space<hbm>> -> memref<500000x128xf32, #tpu.memory_space<hbm>>
    tpu.enqueue_indirect_dma source(%dma_start3A_68 : memref<500000x128xf32, #tpu.memory_space<hbm>>) target(%arg12 : memref<64x128xf32, #tpu.memory_space<vmem>>) offsets(%dma_start3A_65 : memref<64xi32, #tpu.memory_space<vmem>>) semaphore(%arg15 : memref<!tpu.dma_semaphore, #tpu.memory_space<semaphore_mem>>)
    %add3A_69 = arith.constant 64 : i32
    %add3A_70 = arith.addi %mul3A_2, %add3A_69 : i32
    %dma_start3A_71 = arith.constant 0 : i32
    %dma_start3A_72 = tpu.memref_slice %arg6[%add3A_70, %dma_start3A_71] : memref<16384x128xf32, #tpu.memory_space<hbm>> -> memref<64x128xf32, #tpu.memory_space<hbm>>
    %dma_start3A_73 = arith.constant 0 : i32
    %dma_start3A_74 = tpu.memref_slice %arg6[%add3A_70, %dma_start3A_73] : memref<16384x128xf32, #tpu.memory_space<hbm>> -> memref<64x128xf32, #tpu.memory_space<hbm>>
    tpu.enqueue_dma source(%arg11 : memref<64x128xf32, #tpu.memory_space<vmem>>) target(%dma_start3A_74 : memref<64x128xf32, #tpu.memory_space<hbm>>) target_semaphore(%arg16 : memref<!tpu.dma_semaphore, #tpu.memory_space<semaphore_mem>>)
    %dma_start3A_75 = arith.constant 0 : i32
    %dma_start3A_76 = tpu.memref_slice %arg7[%add3A_70, %dma_start3A_75] : memref<16384x128xf32, #tpu.memory_space<hbm>> -> memref<64x128xf32, #tpu.memory_space<hbm>>
    %dma_start3A_77 = arith.constant 0 : i32
    %dma_start3A_78 = tpu.memref_slice %arg7[%add3A_70, %dma_start3A_77] : memref<16384x128xf32, #tpu.memory_space<hbm>> -> memref<64x128xf32, #tpu.memory_space<hbm>>
    tpu.enqueue_dma source(%arg13 : memref<64x128xf32, #tpu.memory_space<vmem>>) target(%dma_start3A_78 : memref<64x128xf32, #tpu.memory_space<hbm>>) target_semaphore(%arg17 : memref<!tpu.dma_semaphore, #tpu.memory_space<semaphore_mem>>)
    %dma_wait3A_79 = arith.constant 128 : i32
    %dma_wait3A_80 = tpu.memref_slice %arg8[%dma_wait3A_79] : memref<512xi32, #tpu.memory_space<vmem>> -> memref<64xi32, #tpu.memory_space<vmem>>
    %dma_wait3A_81 = arith.constant 0 : i32
    %dma_wait3A_82 = arith.constant 0 : i32
    %dma_wait3A_83 = tpu.memref_slice %arg4[%dma_wait3A_81, %dma_wait3A_82] : memref<500000x128xf32, #tpu.memory_space<hbm>> -> memref<500000x128xf32, #tpu.memory_space<hbm>>
    tpu.wait_indirect_dma semaphore(%arg14 : memref<!tpu.dma_semaphore, #tpu.memory_space<semaphore_mem>>) src(%dma_wait3A_83 : memref<500000x128xf32, #tpu.memory_space<hbm>>) dst(%arg10 : memref<64x128xf32, #tpu.memory_space<vmem>>)
    %dma_wait3A_84 = arith.constant 128 : i32
    %dma_wait3A_85 = tpu.memref_slice %arg9[%dma_wait3A_84] : memref<512xi32, #tpu.memory_space<vmem>> -> memref<64xi32, #tpu.memory_space<vmem>>
    %dma_wait3A_86 = arith.constant 0 : i32
    %dma_wait3A_87 = arith.constant 0 : i32
    %dma_wait3A_88 = tpu.memref_slice %arg5[%dma_wait3A_86, %dma_wait3A_87] : memref<500000x128xf32, #tpu.memory_space<hbm>> -> memref<500000x128xf32, #tpu.memory_space<hbm>>
    tpu.wait_indirect_dma semaphore(%arg15 : memref<!tpu.dma_semaphore, #tpu.memory_space<semaphore_mem>>) src(%dma_wait3A_88 : memref<500000x128xf32, #tpu.memory_space<hbm>>) dst(%arg12 : memref<64x128xf32, #tpu.memory_space<vmem>>)
    %dma_wait3A_89 = arith.constant 0 : i32
    %dma_wait3A_90 = tpu.memref_slice %arg6[%add3A_70, %dma_wait3A_89] : memref<16384x128xf32, #tpu.memory_space<hbm>> -> memref<64x128xf32, #tpu.memory_space<hbm>>
    %dma_wait3A_91 = arith.constant 0 : i32
    %dma_wait3A_92 = tpu.memref_slice %arg6[%add3A_70, %dma_wait3A_91] : memref<16384x128xf32, #tpu.memory_space<hbm>> -> memref<64x128xf32, #tpu.memory_space<hbm>>
    tpu.wait_dma2 semaphore(%arg16 : memref<!tpu.dma_semaphore, #tpu.memory_space<semaphore_mem>>) src(%arg11 : memref<64x128xf32, #tpu.memory_space<vmem>>) dst(%dma_wait3A_92 : memref<64x128xf32, #tpu.memory_space<hbm>>)
    %dma_wait3A_93 = arith.constant 0 : i32
    %dma_wait3A_94 = tpu.memref_slice %arg7[%add3A_70, %dma_wait3A_93] : memref<16384x128xf32, #tpu.memory_space<hbm>> -> memref<64x128xf32, #tpu.memory_space<hbm>>
    %dma_wait3A_95 = arith.constant 0 : i32
    %dma_wait3A_96 = tpu.memref_slice %arg7[%add3A_70, %dma_wait3A_95] : memref<16384x128xf32, #tpu.memory_space<hbm>> -> memref<64x128xf32, #tpu.memory_space<hbm>>
    tpu.wait_dma2 semaphore(%arg17 : memref<!tpu.dma_semaphore, #tpu.memory_space<semaphore_mem>>) src(%arg13 : memref<64x128xf32, #tpu.memory_space<vmem>>) dst(%dma_wait3A_96 : memref<64x128xf32, #tpu.memory_space<hbm>>)
    %dma_start3A_97 = arith.constant 192 : i32
    %dma_start3A_98 = tpu.memref_slice %arg8[%dma_start3A_97] : memref<512xi32, #tpu.memory_space<vmem>> -> memref<64xi32, #tpu.memory_space<vmem>>
    %dma_start3A_99 = arith.constant 0 : i32
    %dma_start3A_100 = arith.constant 0 : i32
    %dma_start3A_101 = tpu.memref_slice %arg4[%dma_start3A_99, %dma_start3A_100] : memref<500000x128xf32, #tpu.memory_space<hbm>> -> memref<500000x128xf32, #tpu.memory_space<hbm>>
    tpu.enqueue_indirect_dma source(%dma_start3A_101 : memref<500000x128xf32, #tpu.memory_space<hbm>>) target(%arg11 : memref<64x128xf32, #tpu.memory_space<vmem>>) offsets(%dma_start3A_98 : memref<64xi32, #tpu.memory_space<vmem>>) semaphore(%arg14 : memref<!tpu.dma_semaphore, #tpu.memory_space<semaphore_mem>>)
    %dma_start3A_102 = arith.constant 192 : i32
    %dma_start3A_103 = tpu.memref_slice %arg9[%dma_start3A_102] : memref<512xi32, #tpu.memory_space<vmem>> -> memref<64xi32, #tpu.memory_space<vmem>>
    %dma_start3A_104 = arith.constant 0 : i32
    %dma_start3A_105 = arith.constant 0 : i32
    %dma_start3A_106 = tpu.memref_slice %arg5[%dma_start3A_104, %dma_start3A_105] : memref<500000x128xf32, #tpu.memory_space<hbm>> -> memref<500000x128xf32, #tpu.memory_space<hbm>>
    tpu.enqueue_indirect_dma source(%dma_start3A_106 : memref<500000x128xf32, #tpu.memory_space<hbm>>) target(%arg13 : memref<64x128xf32, #tpu.memory_space<vmem>>) offsets(%dma_start3A_103 : memref<64xi32, #tpu.memory_space<vmem>>) semaphore(%arg15 : memref<!tpu.dma_semaphore, #tpu.memory_space<semaphore_mem>>)
    %add3A_107 = arith.constant 128 : i32
    %add3A_108 = arith.addi %mul3A_2, %add3A_107 : i32
    %dma_start3A_109 = arith.constant 0 : i32
    %dma_start3A_110 = tpu.memref_slice %arg6[%add3A_108, %dma_start3A_109] : memref<16384x128xf32, #tpu.memory_space<hbm>> -> memref<64x128xf32, #tpu.memory_space<hbm>>
    %dma_start3A_111 = arith.constant 0 : i32
    %dma_start3A_112 = tpu.memref_slice %arg6[%add3A_108, %dma_start3A_111] : memref<16384x128xf32, #tpu.memory_space<hbm>> -> memref<64x128xf32, #tpu.memory_space<hbm>>
    tpu.enqueue_dma source(%arg10 : memref<64x128xf32, #tpu.memory_space<vmem>>) target(%dma_start3A_112 : memref<64x128xf32, #tpu.memory_space<hbm>>) target_semaphore(%arg16 : memref<!tpu.dma_semaphore, #tpu.memory_space<semaphore_mem>>)
    %dma_start3A_113 = arith.constant 0 : i32
    %dma_start3A_114 = tpu.memref_slice %arg7[%add3A_108, %dma_start3A_113] : memref<16384x128xf32, #tpu.memory_space<hbm>> -> memref<64x128xf32, #tpu.memory_space<hbm>>
    %dma_start3A_115 = arith.constant 0 : i32
    %dma_start3A_116 = tpu.memref_slice %arg7[%add3A_108, %dma_start3A_115] : memref<16384x128xf32, #tpu.memory_space<hbm>> -> memref<64x128xf32, #tpu.memory_space<hbm>>
    tpu.enqueue_dma source(%arg12 : memref<64x128xf32, #tpu.memory_space<vmem>>) target(%dma_start3A_116 : memref<64x128xf32, #tpu.memory_space<hbm>>) target_semaphore(%arg17 : memref<!tpu.dma_semaphore, #tpu.memory_space<semaphore_mem>>)
    %dma_wait3A_117 = arith.constant 192 : i32
    %dma_wait3A_118 = tpu.memref_slice %arg8[%dma_wait3A_117] : memref<512xi32, #tpu.memory_space<vmem>> -> memref<64xi32, #tpu.memory_space<vmem>>
    %dma_wait3A_119 = arith.constant 0 : i32
    %dma_wait3A_120 = arith.constant 0 : i32
    %dma_wait3A_121 = tpu.memref_slice %arg4[%dma_wait3A_119, %dma_wait3A_120] : memref<500000x128xf32, #tpu.memory_space<hbm>> -> memref<500000x128xf32, #tpu.memory_space<hbm>>
    tpu.wait_indirect_dma semaphore(%arg14 : memref<!tpu.dma_semaphore, #tpu.memory_space<semaphore_mem>>) src(%dma_wait3A_121 : memref<500000x128xf32, #tpu.memory_space<hbm>>) dst(%arg11 : memref<64x128xf32, #tpu.memory_space<vmem>>)
    %dma_wait3A_122 = arith.constant 192 : i32
    %dma_wait3A_123 = tpu.memref_slice %arg9[%dma_wait3A_122] : memref<512xi32, #tpu.memory_space<vmem>> -> memref<64xi32, #tpu.memory_space<vmem>>
    %dma_wait3A_124 = arith.constant 0 : i32
    %dma_wait3A_125 = arith.constant 0 : i32
    %dma_wait3A_126 = tpu.memref_slice %arg5[%dma_wait3A_124, %dma_wait3A_125] : memref<500000x128xf32, #tpu.memory_space<hbm>> -> memref<500000x128xf32, #tpu.memory_space<hbm>>
    tpu.wait_indirect_dma semaphore(%arg15 : memref<!tpu.dma_semaphore, #tpu.memory_space<semaphore_mem>>) src(%dma_wait3A_126 : memref<500000x128xf32, #tpu.memory_space<hbm>>) dst(%arg13 : memref<64x128xf32, #tpu.memory_space<vmem>>)
    %dma_wait3A_127 = arith.constant 0 : i32
    %dma_wait3A_128 = tpu.memref_slice %arg6[%add3A_108, %dma_wait3A_127] : memref<16384x128xf32, #tpu.memory_space<hbm>> -> memref<64x128xf32, #tpu.memory_space<hbm>>
    %dma_wait3A_129 = arith.constant 0 : i32
    %dma_wait3A_130 = tpu.memref_slice %arg6[%add3A_108, %dma_wait3A_129] : memref<16384x128xf32, #tpu.memory_space<hbm>> -> memref<64x128xf32, #tpu.memory_space<hbm>>
    tpu.wait_dma2 semaphore(%arg16 : memref<!tpu.dma_semaphore, #tpu.memory_space<semaphore_mem>>) src(%arg10 : memref<64x128xf32, #tpu.memory_space<vmem>>) dst(%dma_wait3A_130 : memref<64x128xf32, #tpu.memory_space<hbm>>)
    %dma_wait3A_131 = arith.constant 0 : i32
    %dma_wait3A_132 = tpu.memref_slice %arg7[%add3A_108, %dma_wait3A_131] : memref<16384x128xf32, #tpu.memory_space<hbm>> -> memref<64x128xf32, #tpu.memory_space<hbm>>
    %dma_wait3A_133 = arith.constant 0 : i32
    %dma_wait3A_134 = tpu.memref_slice %arg7[%add3A_108, %dma_wait3A_133] : memref<16384x128xf32, #tpu.memory_space<hbm>> -> memref<64x128xf32, #tpu.memory_space<hbm>>
    tpu.wait_dma2 semaphore(%arg17 : memref<!tpu.dma_semaphore, #tpu.memory_space<semaphore_mem>>) src(%arg12 : memref<64x128xf32, #tpu.memory_space<vmem>>) dst(%dma_wait3A_134 : memref<64x128xf32, #tpu.memory_space<hbm>>)
    %dma_start3A_135 = arith.constant 256 : i32
    %dma_start3A_136 = tpu.memref_slice %arg8[%dma_start3A_135] : memref<512xi32, #tpu.memory_space<vmem>> -> memref<64xi32, #tpu.memory_space<vmem>>
    %dma_start3A_137 = arith.constant 0 : i32
    %dma_start3A_138 = arith.constant 0 : i32
    %dma_start3A_139 = tpu.memref_slice %arg4[%dma_start3A_137, %dma_start3A_138] : memref<500000x128xf32, #tpu.memory_space<hbm>> -> memref<500000x128xf32, #tpu.memory_space<hbm>>
    tpu.enqueue_indirect_dma source(%dma_start3A_139 : memref<500000x128xf32, #tpu.memory_space<hbm>>) target(%arg10 : memref<64x128xf32, #tpu.memory_space<vmem>>) offsets(%dma_start3A_136 : memref<64xi32, #tpu.memory_space<vmem>>) semaphore(%arg14 : memref<!tpu.dma_semaphore, #tpu.memory_space<semaphore_mem>>)
    %dma_start3A_140 = arith.constant 256 : i32
    %dma_start3A_141 = tpu.memref_slice %arg9[%dma_start3A_140] : memref<512xi32, #tpu.memory_space<vmem>> -> memref<64xi32, #tpu.memory_space<vmem>>
    %dma_start3A_142 = arith.constant 0 : i32
    %dma_start3A_143 = arith.constant 0 : i32
    %dma_start3A_144 = tpu.memref_slice %arg5[%dma_start3A_142, %dma_start3A_143] : memref<500000x128xf32, #tpu.memory_space<hbm>> -> memref<500000x128xf32, #tpu.memory_space<hbm>>
    tpu.enqueue_indirect_dma source(%dma_start3A_144 : memref<500000x128xf32, #tpu.memory_space<hbm>>) target(%arg12 : memref<64x128xf32, #tpu.memory_space<vmem>>) offsets(%dma_start3A_141 : memref<64xi32, #tpu.memory_space<vmem>>) semaphore(%arg15 : memref<!tpu.dma_semaphore, #tpu.memory_space<semaphore_mem>>)
    %add3A_145 = arith.constant 192 : i32
    %add3A_146 = arith.addi %mul3A_2, %add3A_145 : i32
    %dma_start3A_147 = arith.constant 0 : i32
    %dma_start3A_148 = tpu.memref_slice %arg6[%add3A_146, %dma_start3A_147] : memref<16384x128xf32, #tpu.memory_space<hbm>> -> memref<64x128xf32, #tpu.memory_space<hbm>>
    %dma_start3A_149 = arith.constant 0 : i32
    %dma_start3A_150 = tpu.memref_slice %arg6[%add3A_146, %dma_start3A_149] : memref<16384x128xf32, #tpu.memory_space<hbm>> -> memref<64x128xf32, #tpu.memory_space<hbm>>
    tpu.enqueue_dma source(%arg11 : memref<64x128xf32, #tpu.memory_space<vmem>>) target(%dma_start3A_150 : memref<64x128xf32, #tpu.memory_space<hbm>>) target_semaphore(%arg16 : memref<!tpu.dma_semaphore, #tpu.memory_space<semaphore_mem>>)
    %dma_start3A_151 = arith.constant 0 : i32
    %dma_start3A_152 = tpu.memref_slice %arg7[%add3A_146, %dma_start3A_151] : memref<16384x128xf32, #tpu.memory_space<hbm>> -> memref<64x128xf32, #tpu.memory_space<hbm>>
    %dma_start3A_153 = arith.constant 0 : i32
    %dma_start3A_154 = tpu.memref_slice %arg7[%add3A_146, %dma_start3A_153] : memref<16384x128xf32, #tpu.memory_space<hbm>> -> memref<64x128xf32, #tpu.memory_space<hbm>>
    tpu.enqueue_dma source(%arg13 : memref<64x128xf32, #tpu.memory_space<vmem>>) target(%dma_start3A_154 : memref<64x128xf32, #tpu.memory_space<hbm>>) target_semaphore(%arg17 : memref<!tpu.dma_semaphore, #tpu.memory_space<semaphore_mem>>)
    %dma_wait3A_155 = arith.constant 256 : i32
    %dma_wait3A_156 = tpu.memref_slice %arg8[%dma_wait3A_155] : memref<512xi32, #tpu.memory_space<vmem>> -> memref<64xi32, #tpu.memory_space<vmem>>
    %dma_wait3A_157 = arith.constant 0 : i32
    %dma_wait3A_158 = arith.constant 0 : i32
    %dma_wait3A_159 = tpu.memref_slice %arg4[%dma_wait3A_157, %dma_wait3A_158] : memref<500000x128xf32, #tpu.memory_space<hbm>> -> memref<500000x128xf32, #tpu.memory_space<hbm>>
    tpu.wait_indirect_dma semaphore(%arg14 : memref<!tpu.dma_semaphore, #tpu.memory_space<semaphore_mem>>) src(%dma_wait3A_159 : memref<500000x128xf32, #tpu.memory_space<hbm>>) dst(%arg10 : memref<64x128xf32, #tpu.memory_space<vmem>>)
    %dma_wait3A_160 = arith.constant 256 : i32
    %dma_wait3A_161 = tpu.memref_slice %arg9[%dma_wait3A_160] : memref<512xi32, #tpu.memory_space<vmem>> -> memref<64xi32, #tpu.memory_space<vmem>>
    %dma_wait3A_162 = arith.constant 0 : i32
    %dma_wait3A_163 = arith.constant 0 : i32
    %dma_wait3A_164 = tpu.memref_slice %arg5[%dma_wait3A_162, %dma_wait3A_163] : memref<500000x128xf32, #tpu.memory_space<hbm>> -> memref<500000x128xf32, #tpu.memory_space<hbm>>
    tpu.wait_indirect_dma semaphore(%arg15 : memref<!tpu.dma_semaphore, #tpu.memory_space<semaphore_mem>>) src(%dma_wait3A_164 : memref<500000x128xf32, #tpu.memory_space<hbm>>) dst(%arg12 : memref<64x128xf32, #tpu.memory_space<vmem>>)
    %dma_wait3A_165 = arith.constant 0 : i32
    %dma_wait3A_166 = tpu.memref_slice %arg6[%add3A_146, %dma_wait3A_165] : memref<16384x128xf32, #tpu.memory_space<hbm>> -> memref<64x128xf32, #tpu.memory_space<hbm>>
    %dma_wait3A_167 = arith.constant 0 : i32
    %dma_wait3A_168 = tpu.memref_slice %arg6[%add3A_146, %dma_wait3A_167] : memref<16384x128xf32, #tpu.memory_space<hbm>> -> memref<64x128xf32, #tpu.memory_space<hbm>>
    tpu.wait_dma2 semaphore(%arg16 : memref<!tpu.dma_semaphore, #tpu.memory_space<semaphore_mem>>) src(%arg11 : memref<64x128xf32, #tpu.memory_space<vmem>>) dst(%dma_wait3A_168 : memref<64x128xf32, #tpu.memory_space<hbm>>)
    %dma_wait3A_169 = arith.constant 0 : i32
    %dma_wait3A_170 = tpu.memref_slice %arg7[%add3A_146, %dma_wait3A_169] : memref<16384x128xf32, #tpu.memory_space<hbm>> -> memref<64x128xf32, #tpu.memory_space<hbm>>
    %dma_wait3A_171 = arith.constant 0 : i32
    %dma_wait3A_172 = tpu.memref_slice %arg7[%add3A_146, %dma_wait3A_171] : memref<16384x128xf32, #tpu.memory_space<hbm>> -> memref<64x128xf32, #tpu.memory_space<hbm>>
    tpu.wait_dma2 semaphore(%arg17 : memref<!tpu.dma_semaphore, #tpu.memory_space<semaphore_mem>>) src(%arg13 : memref<64x128xf32, #tpu.memory_space<vmem>>) dst(%dma_wait3A_172 : memref<64x128xf32, #tpu.memory_space<hbm>>)
    %dma_start3A_173 = arith.constant 320 : i32
    %dma_start3A_174 = tpu.memref_slice %arg8[%dma_start3A_173] : memref<512xi32, #tpu.memory_space<vmem>> -> memref<64xi32, #tpu.memory_space<vmem>>
    %dma_start3A_175 = arith.constant 0 : i32
    %dma_start3A_176 = arith.constant 0 : i32
    %dma_start3A_177 = tpu.memref_slice %arg4[%dma_start3A_175, %dma_start3A_176] : memref<500000x128xf32, #tpu.memory_space<hbm>> -> memref<500000x128xf32, #tpu.memory_space<hbm>>
    tpu.enqueue_indirect_dma source(%dma_start3A_177 : memref<500000x128xf32, #tpu.memory_space<hbm>>) target(%arg11 : memref<64x128xf32, #tpu.memory_space<vmem>>) offsets(%dma_start3A_174 : memref<64xi32, #tpu.memory_space<vmem>>) semaphore(%arg14 : memref<!tpu.dma_semaphore, #tpu.memory_space<semaphore_mem>>)
    %dma_start3A_178 = arith.constant 320 : i32
    %dma_start3A_179 = tpu.memref_slice %arg9[%dma_start3A_178] : memref<512xi32, #tpu.memory_space<vmem>> -> memref<64xi32, #tpu.memory_space<vmem>>
    %dma_start3A_180 = arith.constant 0 : i32
    %dma_start3A_181 = arith.constant 0 : i32
    %dma_start3A_182 = tpu.memref_slice %arg5[%dma_start3A_180, %dma_start3A_181] : memref<500000x128xf32, #tpu.memory_space<hbm>> -> memref<500000x128xf32, #tpu.memory_space<hbm>>
    tpu.enqueue_indirect_dma source(%dma_start3A_182 : memref<500000x128xf32, #tpu.memory_space<hbm>>) target(%arg13 : memref<64x128xf32, #tpu.memory_space<vmem>>) offsets(%dma_start3A_179 : memref<64xi32, #tpu.memory_space<vmem>>) semaphore(%arg15 : memref<!tpu.dma_semaphore, #tpu.memory_space<semaphore_mem>>)
    %add3A_183 = arith.constant 256 : i32
    %add3A_184 = arith.addi %mul3A_2, %add3A_183 : i32
    %dma_start3A_185 = arith.constant 0 : i32
    %dma_start3A_186 = tpu.memref_slice %arg6[%add3A_184, %dma_start3A_185] : memref<16384x128xf32, #tpu.memory_space<hbm>> -> memref<64x128xf32, #tpu.memory_space<hbm>>
    %dma_start3A_187 = arith.constant 0 : i32
    %dma_start3A_188 = tpu.memref_slice %arg6[%add3A_184, %dma_start3A_187] : memref<16384x128xf32, #tpu.memory_space<hbm>> -> memref<64x128xf32, #tpu.memory_space<hbm>>
    tpu.enqueue_dma source(%arg10 : memref<64x128xf32, #tpu.memory_space<vmem>>) target(%dma_start3A_188 : memref<64x128xf32, #tpu.memory_space<hbm>>) target_semaphore(%arg16 : memref<!tpu.dma_semaphore, #tpu.memory_space<semaphore_mem>>)
    %dma_start3A_189 = arith.constant 0 : i32
    %dma_start3A_190 = tpu.memref_slice %arg7[%add3A_184, %dma_start3A_189] : memref<16384x128xf32, #tpu.memory_space<hbm>> -> memref<64x128xf32, #tpu.memory_space<hbm>>
    %dma_start3A_191 = arith.constant 0 : i32
    %dma_start3A_192 = tpu.memref_slice %arg7[%add3A_184, %dma_start3A_191] : memref<16384x128xf32, #tpu.memory_space<hbm>> -> memref<64x128xf32, #tpu.memory_space<hbm>>
    tpu.enqueue_dma source(%arg12 : memref<64x128xf32, #tpu.memory_space<vmem>>) target(%dma_start3A_192 : memref<64x128xf32, #tpu.memory_space<hbm>>) target_semaphore(%arg17 : memref<!tpu.dma_semaphore, #tpu.memory_space<semaphore_mem>>)
    %dma_wait3A_193 = arith.constant 320 : i32
    %dma_wait3A_194 = tpu.memref_slice %arg8[%dma_wait3A_193] : memref<512xi32, #tpu.memory_space<vmem>> -> memref<64xi32, #tpu.memory_space<vmem>>
    %dma_wait3A_195 = arith.constant 0 : i32
    %dma_wait3A_196 = arith.constant 0 : i32
    %dma_wait3A_197 = tpu.memref_slice %arg4[%dma_wait3A_195, %dma_wait3A_196] : memref<500000x128xf32, #tpu.memory_space<hbm>> -> memref<500000x128xf32, #tpu.memory_space<hbm>>
    tpu.wait_indirect_dma semaphore(%arg14 : memref<!tpu.dma_semaphore, #tpu.memory_space<semaphore_mem>>) src(%dma_wait3A_197 : memref<500000x128xf32, #tpu.memory_space<hbm>>) dst(%arg11 : memref<64x128xf32, #tpu.memory_space<vmem>>)
    %dma_wait3A_198 = arith.constant 320 : i32
    %dma_wait3A_199 = tpu.memref_slice %arg9[%dma_wait3A_198] : memref<512xi32, #tpu.memory_space<vmem>> -> memref<64xi32, #tpu.memory_space<vmem>>
    %dma_wait3A_200 = arith.constant 0 : i32
    %dma_wait3A_201 = arith.constant 0 : i32
    %dma_wait3A_202 = tpu.memref_slice %arg5[%dma_wait3A_200, %dma_wait3A_201] : memref<500000x128xf32, #tpu.memory_space<hbm>> -> memref<500000x128xf32, #tpu.memory_space<hbm>>
    tpu.wait_indirect_dma semaphore(%arg15 : memref<!tpu.dma_semaphore, #tpu.memory_space<semaphore_mem>>) src(%dma_wait3A_202 : memref<500000x128xf32, #tpu.memory_space<hbm>>) dst(%arg13 : memref<64x128xf32, #tpu.memory_space<vmem>>)
    %dma_wait3A_203 = arith.constant 0 : i32
    %dma_wait3A_204 = tpu.memref_slice %arg6[%add3A_184, %dma_wait3A_203] : memref<16384x128xf32, #tpu.memory_space<hbm>> -> memref<64x128xf32, #tpu.memory_space<hbm>>
    %dma_wait3A_205 = arith.constant 0 : i32
    %dma_wait3A_206 = tpu.memref_slice %arg6[%add3A_184, %dma_wait3A_205] : memref<16384x128xf32, #tpu.memory_space<hbm>> -> memref<64x128xf32, #tpu.memory_space<hbm>>
    tpu.wait_dma2 semaphore(%arg16 : memref<!tpu.dma_semaphore, #tpu.memory_space<semaphore_mem>>) src(%arg10 : memref<64x128xf32, #tpu.memory_space<vmem>>) dst(%dma_wait3A_206 : memref<64x128xf32, #tpu.memory_space<hbm>>)
    %dma_wait3A_207 = arith.constant 0 : i32
    %dma_wait3A_208 = tpu.memref_slice %arg7[%add3A_184, %dma_wait3A_207] : memref<16384x128xf32, #tpu.memory_space<hbm>> -> memref<64x128xf32, #tpu.memory_space<hbm>>
    %dma_wait3A_209 = arith.constant 0 : i32
    %dma_wait3A_210 = tpu.memref_slice %arg7[%add3A_184, %dma_wait3A_209] : memref<16384x128xf32, #tpu.memory_space<hbm>> -> memref<64x128xf32, #tpu.memory_space<hbm>>
    tpu.wait_dma2 semaphore(%arg17 : memref<!tpu.dma_semaphore, #tpu.memory_space<semaphore_mem>>) src(%arg12 : memref<64x128xf32, #tpu.memory_space<vmem>>) dst(%dma_wait3A_210 : memref<64x128xf32, #tpu.memory_space<hbm>>)
    %dma_start3A_211 = arith.constant 384 : i32
    %dma_start3A_212 = tpu.memref_slice %arg8[%dma_start3A_211] : memref<512xi32, #tpu.memory_space<vmem>> -> memref<64xi32, #tpu.memory_space<vmem>>
    %dma_start3A_213 = arith.constant 0 : i32
    %dma_start3A_214 = arith.constant 0 : i32
    %dma_start3A_215 = tpu.memref_slice %arg4[%dma_start3A_213, %dma_start3A_214] : memref<500000x128xf32, #tpu.memory_space<hbm>> -> memref<500000x128xf32, #tpu.memory_space<hbm>>
    tpu.enqueue_indirect_dma source(%dma_start3A_215 : memref<500000x128xf32, #tpu.memory_space<hbm>>) target(%arg10 : memref<64x128xf32, #tpu.memory_space<vmem>>) offsets(%dma_start3A_212 : memref<64xi32, #tpu.memory_space<vmem>>) semaphore(%arg14 : memref<!tpu.dma_semaphore, #tpu.memory_space<semaphore_mem>>)
    %dma_start3A_216 = arith.constant 384 : i32
    %dma_start3A_217 = tpu.memref_slice %arg9[%dma_start3A_216] : memref<512xi32, #tpu.memory_space<vmem>> -> memref<64xi32, #tpu.memory_space<vmem>>
    %dma_start3A_218 = arith.constant 0 : i32
    %dma_start3A_219 = arith.constant 0 : i32
    %dma_start3A_220 = tpu.memref_slice %arg5[%dma_start3A_218, %dma_start3A_219] : memref<500000x128xf32, #tpu.memory_space<hbm>> -> memref<500000x128xf32, #tpu.memory_space<hbm>>
    tpu.enqueue_indirect_dma source(%dma_start3A_220 : memref<500000x128xf32, #tpu.memory_space<hbm>>) target(%arg12 : memref<64x128xf32, #tpu.memory_space<vmem>>) offsets(%dma_start3A_217 : memref<64xi32, #tpu.memory_space<vmem>>) semaphore(%arg15 : memref<!tpu.dma_semaphore, #tpu.memory_space<semaphore_mem>>)
    %add3A_221 = arith.constant 320 : i32
    %add3A_222 = arith.addi %mul3A_2, %add3A_221 : i32
    %dma_start3A_223 = arith.constant 0 : i32
    %dma_start3A_224 = tpu.memref_slice %arg6[%add3A_222, %dma_start3A_223] : memref<16384x128xf32, #tpu.memory_space<hbm>> -> memref<64x128xf32, #tpu.memory_space<hbm>>
    %dma_start3A_225 = arith.constant 0 : i32
    %dma_start3A_226 = tpu.memref_slice %arg6[%add3A_222, %dma_start3A_225] : memref<16384x128xf32, #tpu.memory_space<hbm>> -> memref<64x128xf32, #tpu.memory_space<hbm>>
    tpu.enqueue_dma source(%arg11 : memref<64x128xf32, #tpu.memory_space<vmem>>) target(%dma_start3A_226 : memref<64x128xf32, #tpu.memory_space<hbm>>) target_semaphore(%arg16 : memref<!tpu.dma_semaphore, #tpu.memory_space<semaphore_mem>>)
    %dma_start3A_227 = arith.constant 0 : i32
    %dma_start3A_228 = tpu.memref_slice %arg7[%add3A_222, %dma_start3A_227] : memref<16384x128xf32, #tpu.memory_space<hbm>> -> memref<64x128xf32, #tpu.memory_space<hbm>>
    %dma_start3A_229 = arith.constant 0 : i32
    %dma_start3A_230 = tpu.memref_slice %arg7[%add3A_222, %dma_start3A_229] : memref<16384x128xf32, #tpu.memory_space<hbm>> -> memref<64x128xf32, #tpu.memory_space<hbm>>
    tpu.enqueue_dma source(%arg13 : memref<64x128xf32, #tpu.memory_space<vmem>>) target(%dma_start3A_230 : memref<64x128xf32, #tpu.memory_space<hbm>>) target_semaphore(%arg17 : memref<!tpu.dma_semaphore, #tpu.memory_space<semaphore_mem>>)
    %dma_wait3A_231 = arith.constant 384 : i32
    %dma_wait3A_232 = tpu.memref_slice %arg8[%dma_wait3A_231] : memref<512xi32, #tpu.memory_space<vmem>> -> memref<64xi32, #tpu.memory_space<vmem>>
    %dma_wait3A_233 = arith.constant 0 : i32
    %dma_wait3A_234 = arith.constant 0 : i32
    %dma_wait3A_235 = tpu.memref_slice %arg4[%dma_wait3A_233, %dma_wait3A_234] : memref<500000x128xf32, #tpu.memory_space<hbm>> -> memref<500000x128xf32, #tpu.memory_space<hbm>>
    tpu.wait_indirect_dma semaphore(%arg14 : memref<!tpu.dma_semaphore, #tpu.memory_space<semaphore_mem>>) src(%dma_wait3A_235 : memref<500000x128xf32, #tpu.memory_space<hbm>>) dst(%arg10 : memref<64x128xf32, #tpu.memory_space<vmem>>)
    %dma_wait3A_236 = arith.constant 384 : i32
    %dma_wait3A_237 = tpu.memref_slice %arg9[%dma_wait3A_236] : memref<512xi32, #tpu.memory_space<vmem>> -> memref<64xi32, #tpu.memory_space<vmem>>
    %dma_wait3A_238 = arith.constant 0 : i32
    %dma_wait3A_239 = arith.constant 0 : i32
    %dma_wait3A_240 = tpu.memref_slice %arg5[%dma_wait3A_238, %dma_wait3A_239] : memref<500000x128xf32, #tpu.memory_space<hbm>> -> memref<500000x128xf32, #tpu.memory_space<hbm>>
    tpu.wait_indirect_dma semaphore(%arg15 : memref<!tpu.dma_semaphore, #tpu.memory_space<semaphore_mem>>) src(%dma_wait3A_240 : memref<500000x128xf32, #tpu.memory_space<hbm>>) dst(%arg12 : memref<64x128xf32, #tpu.memory_space<vmem>>)
    %dma_wait3A_241 = arith.constant 0 : i32
    %dma_wait3A_242 = tpu.memref_slice %arg6[%add3A_222, %dma_wait3A_241] : memref<16384x128xf32, #tpu.memory_space<hbm>> -> memref<64x128xf32, #tpu.memory_space<hbm>>
    %dma_wait3A_243 = arith.constant 0 : i32
    %dma_wait3A_244 = tpu.memref_slice %arg6[%add3A_222, %dma_wait3A_243] : memref<16384x128xf32, #tpu.memory_space<hbm>> -> memref<64x128xf32, #tpu.memory_space<hbm>>
    tpu.wait_dma2 semaphore(%arg16 : memref<!tpu.dma_semaphore, #tpu.memory_space<semaphore_mem>>) src(%arg11 : memref<64x128xf32, #tpu.memory_space<vmem>>) dst(%dma_wait3A_244 : memref<64x128xf32, #tpu.memory_space<hbm>>)
    %dma_wait3A_245 = arith.constant 0 : i32
    %dma_wait3A_246 = tpu.memref_slice %arg7[%add3A_222, %dma_wait3A_245] : memref<16384x128xf32, #tpu.memory_space<hbm>> -> memref<64x128xf32, #tpu.memory_space<hbm>>
    %dma_wait3A_247 = arith.constant 0 : i32
    %dma_wait3A_248 = tpu.memref_slice %arg7[%add3A_222, %dma_wait3A_247] : memref<16384x128xf32, #tpu.memory_space<hbm>> -> memref<64x128xf32, #tpu.memory_space<hbm>>
    tpu.wait_dma2 semaphore(%arg17 : memref<!tpu.dma_semaphore, #tpu.memory_space<semaphore_mem>>) src(%arg13 : memref<64x128xf32, #tpu.memory_space<vmem>>) dst(%dma_wait3A_248 : memref<64x128xf32, #tpu.memory_space<hbm>>)
    %dma_start3A_249 = arith.constant 448 : i32
    %dma_start3A_250 = tpu.memref_slice %arg8[%dma_start3A_249] : memref<512xi32, #tpu.memory_space<vmem>> -> memref<64xi32, #tpu.memory_space<vmem>>
    %dma_start3A_251 = arith.constant 0 : i32
    %dma_start3A_252 = arith.constant 0 : i32
    %dma_start3A_253 = tpu.memref_slice %arg4[%dma_start3A_251, %dma_start3A_252] : memref<500000x128xf32, #tpu.memory_space<hbm>> -> memref<500000x128xf32, #tpu.memory_space<hbm>>
    tpu.enqueue_indirect_dma source(%dma_start3A_253 : memref<500000x128xf32, #tpu.memory_space<hbm>>) target(%arg11 : memref<64x128xf32, #tpu.memory_space<vmem>>) offsets(%dma_start3A_250 : memref<64xi32, #tpu.memory_space<vmem>>) semaphore(%arg14 : memref<!tpu.dma_semaphore, #tpu.memory_space<semaphore_mem>>)
    %dma_start3A_254 = arith.constant 448 : i32
    %dma_start3A_255 = tpu.memref_slice %arg9[%dma_start3A_254] : memref<512xi32, #tpu.memory_space<vmem>> -> memref<64xi32, #tpu.memory_space<vmem>>
    %dma_start3A_256 = arith.constant 0 : i32
    %dma_start3A_257 = arith.constant 0 : i32
    %dma_start3A_258 = tpu.memref_slice %arg5[%dma_start3A_256, %dma_start3A_257] : memref<500000x128xf32, #tpu.memory_space<hbm>> -> memref<500000x128xf32, #tpu.memory_space<hbm>>
    tpu.enqueue_indirect_dma source(%dma_start3A_258 : memref<500000x128xf32, #tpu.memory_space<hbm>>) target(%arg13 : memref<64x128xf32, #tpu.memory_space<vmem>>) offsets(%dma_start3A_255 : memref<64xi32, #tpu.memory_space<vmem>>) semaphore(%arg15 : memref<!tpu.dma_semaphore, #tpu.memory_space<semaphore_mem>>)
    %add3A_259 = arith.constant 384 : i32
    %add3A_260 = arith.addi %mul3A_2, %add3A_259 : i32
    %dma_start3A_261 = arith.constant 0 : i32
    %dma_start3A_262 = tpu.memref_slice %arg6[%add3A_260, %dma_start3A_261] : memref<16384x128xf32, #tpu.memory_space<hbm>> -> memref<64x128xf32, #tpu.memory_space<hbm>>
    %dma_start3A_263 = arith.constant 0 : i32
    %dma_start3A_264 = tpu.memref_slice %arg6[%add3A_260, %dma_start3A_263] : memref<16384x128xf32, #tpu.memory_space<hbm>> -> memref<64x128xf32, #tpu.memory_space<hbm>>
    tpu.enqueue_dma source(%arg10 : memref<64x128xf32, #tpu.memory_space<vmem>>) target(%dma_start3A_264 : memref<64x128xf32, #tpu.memory_space<hbm>>) target_semaphore(%arg16 : memref<!tpu.dma_semaphore, #tpu.memory_space<semaphore_mem>>)
    %dma_start3A_265 = arith.constant 0 : i32
    %dma_start3A_266 = tpu.memref_slice %arg7[%add3A_260, %dma_start3A_265] : memref<16384x128xf32, #tpu.memory_space<hbm>> -> memref<64x128xf32, #tpu.memory_space<hbm>>
    %dma_start3A_267 = arith.constant 0 : i32
    %dma_start3A_268 = tpu.memref_slice %arg7[%add3A_260, %dma_start3A_267] : memref<16384x128xf32, #tpu.memory_space<hbm>> -> memref<64x128xf32, #tpu.memory_space<hbm>>
    tpu.enqueue_dma source(%arg12 : memref<64x128xf32, #tpu.memory_space<vmem>>) target(%dma_start3A_268 : memref<64x128xf32, #tpu.memory_space<hbm>>) target_semaphore(%arg17 : memref<!tpu.dma_semaphore, #tpu.memory_space<semaphore_mem>>)
    %dma_wait3A_269 = arith.constant 448 : i32
    %dma_wait3A_270 = tpu.memref_slice %arg8[%dma_wait3A_269] : memref<512xi32, #tpu.memory_space<vmem>> -> memref<64xi32, #tpu.memory_space<vmem>>
    %dma_wait3A_271 = arith.constant 0 : i32
    %dma_wait3A_272 = arith.constant 0 : i32
    %dma_wait3A_273 = tpu.memref_slice %arg4[%dma_wait3A_271, %dma_wait3A_272] : memref<500000x128xf32, #tpu.memory_space<hbm>> -> memref<500000x128xf32, #tpu.memory_space<hbm>>
    tpu.wait_indirect_dma semaphore(%arg14 : memref<!tpu.dma_semaphore, #tpu.memory_space<semaphore_mem>>) src(%dma_wait3A_273 : memref<500000x128xf32, #tpu.memory_space<hbm>>) dst(%arg11 : memref<64x128xf32, #tpu.memory_space<vmem>>)
    %dma_wait3A_274 = arith.constant 448 : i32
    %dma_wait3A_275 = tpu.memref_slice %arg9[%dma_wait3A_274] : memref<512xi32, #tpu.memory_space<vmem>> -> memref<64xi32, #tpu.memory_space<vmem>>
    %dma_wait3A_276 = arith.constant 0 : i32
    %dma_wait3A_277 = arith.constant 0 : i32
    %dma_wait3A_278 = tpu.memref_slice %arg5[%dma_wait3A_276, %dma_wait3A_277] : memref<500000x128xf32, #tpu.memory_space<hbm>> -> memref<500000x128xf32, #tpu.memory_space<hbm>>
    tpu.wait_indirect_dma semaphore(%arg15 : memref<!tpu.dma_semaphore, #tpu.memory_space<semaphore_mem>>) src(%dma_wait3A_278 : memref<500000x128xf32, #tpu.memory_space<hbm>>) dst(%arg13 : memref<64x128xf32, #tpu.memory_space<vmem>>)
    %add3A_279 = arith.constant 448 : i32
    %add3A_280 = arith.addi %mul3A_2, %add3A_279 : i32
    %dma_start3A_281 = arith.constant 0 : i32
    %dma_start3A_282 = tpu.memref_slice %arg6[%add3A_280, %dma_start3A_281] : memref<16384x128xf32, #tpu.memory_space<hbm>> -> memref<64x128xf32, #tpu.memory_space<hbm>>
    %dma_start3A_283 = arith.constant 0 : i32
    %dma_start3A_284 = tpu.memref_slice %arg6[%add3A_280, %dma_start3A_283] : memref<16384x128xf32, #tpu.memory_space<hbm>> -> memref<64x128xf32, #tpu.memory_space<hbm>>
    tpu.enqueue_dma source(%arg11 : memref<64x128xf32, #tpu.memory_space<vmem>>) target(%dma_start3A_284 : memref<64x128xf32, #tpu.memory_space<hbm>>) target_semaphore(%arg16 : memref<!tpu.dma_semaphore, #tpu.memory_space<semaphore_mem>>)
    %dma_start3A_285 = arith.constant 0 : i32
    %dma_start3A_286 = tpu.memref_slice %arg7[%add3A_280, %dma_start3A_285] : memref<16384x128xf32, #tpu.memory_space<hbm>> -> memref<64x128xf32, #tpu.memory_space<hbm>>
    %dma_start3A_287 = arith.constant 0 : i32
    %dma_start3A_288 = tpu.memref_slice %arg7[%add3A_280, %dma_start3A_287] : memref<16384x128xf32, #tpu.memory_space<hbm>> -> memref<64x128xf32, #tpu.memory_space<hbm>>
    tpu.enqueue_dma source(%arg13 : memref<64x128xf32, #tpu.memory_space<vmem>>) target(%dma_start3A_288 : memref<64x128xf32, #tpu.memory_space<hbm>>) target_semaphore(%arg17 : memref<!tpu.dma_semaphore, #tpu.memory_space<semaphore_mem>>)
    %dma_wait3A_289 = arith.constant 0 : i32
    %dma_wait3A_290 = tpu.memref_slice %arg6[%add3A_260, %dma_wait3A_289] : memref<16384x128xf32, #tpu.memory_space<hbm>> -> memref<64x128xf32, #tpu.memory_space<hbm>>
    %dma_wait3A_291 = arith.constant 0 : i32
    %dma_wait3A_292 = tpu.memref_slice %arg6[%add3A_260, %dma_wait3A_291] : memref<16384x128xf32, #tpu.memory_space<hbm>> -> memref<64x128xf32, #tpu.memory_space<hbm>>
    tpu.wait_dma2 semaphore(%arg16 : memref<!tpu.dma_semaphore, #tpu.memory_space<semaphore_mem>>) src(%arg10 : memref<64x128xf32, #tpu.memory_space<vmem>>) dst(%dma_wait3A_292 : memref<64x128xf32, #tpu.memory_space<hbm>>)
    %dma_wait3A_293 = arith.constant 0 : i32
    %dma_wait3A_294 = tpu.memref_slice %arg7[%add3A_260, %dma_wait3A_293] : memref<16384x128xf32, #tpu.memory_space<hbm>> -> memref<64x128xf32, #tpu.memory_space<hbm>>
    %dma_wait3A_295 = arith.constant 0 : i32
    %dma_wait3A_296 = tpu.memref_slice %arg7[%add3A_260, %dma_wait3A_295] : memref<16384x128xf32, #tpu.memory_space<hbm>> -> memref<64x128xf32, #tpu.memory_space<hbm>>
    tpu.wait_dma2 semaphore(%arg17 : memref<!tpu.dma_semaphore, #tpu.memory_space<semaphore_mem>>) src(%arg12 : memref<64x128xf32, #tpu.memory_space<vmem>>) dst(%dma_wait3A_296 : memref<64x128xf32, #tpu.memory_space<hbm>>)
    %dma_wait3A_297 = arith.constant 0 : i32
    %dma_wait3A_298 = tpu.memref_slice %arg6[%add3A_280, %dma_wait3A_297] : memref<16384x128xf32, #tpu.memory_space<hbm>> -> memref<64x128xf32, #tpu.memory_space<hbm>>
    %dma_wait3A_299 = arith.constant 0 : i32
    %dma_wait3A_300 = tpu.memref_slice %arg6[%add3A_280, %dma_wait3A_299] : memref<16384x128xf32, #tpu.memory_space<hbm>> -> memref<64x128xf32, #tpu.memory_space<hbm>>
    tpu.wait_dma2 semaphore(%arg16 : memref<!tpu.dma_semaphore, #tpu.memory_space<semaphore_mem>>) src(%arg11 : memref<64x128xf32, #tpu.memory_space<vmem>>) dst(%dma_wait3A_300 : memref<64x128xf32, #tpu.memory_space<hbm>>)
    %dma_wait3A_301 = arith.constant 0 : i32
    %dma_wait3A_302 = tpu.memref_slice %arg7[%add3A_280, %dma_wait3A_301] : memref<16384x128xf32, #tpu.memory_space<hbm>> -> memref<64x128xf32, #tpu.memory_space<hbm>>
    %dma_wait3A_303 = arith.constant 0 : i32
    %dma_wait3A_304 = tpu.memref_slice %arg7[%add3A_280, %dma_wait3A_303] : memref<16384x128xf32, #tpu.memory_space<hbm>> -> memref<64x128xf32, #tpu.memory_space<hbm>>
    tpu.wait_dma2 semaphore(%arg17 : memref<!tpu.dma_semaphore, #tpu.memory_space<semaphore_mem>>) src(%arg13 : memref<64x128xf32, #tpu.memory_space<vmem>>) dst(%dma_wait3A_304 : memref<64x128xf32, #tpu.memory_space<hbm>>)
    return
  }
}

module attributes {stable_mosaic.version = 14 : i64} {
  func.func @_mlp_body(%arg0: i32, %arg1: memref<2048x1xf32, #tpu.memory_space<vmem>>, %arg2: memref<2048x1xf32, #tpu.memory_space<vmem>>, %arg3: memref<2048x128xf32, #tpu.memory_space<vmem>>, %arg4: memref<2048x128xf32, #tpu.memory_space<vmem>>, %arg5: memref<64x32xf32, #tpu.memory_space<vmem>>, %arg6: memref<1x32xf32, #tpu.memory_space<vmem>>, %arg7: memref<32x32xf32, #tpu.memory_space<vmem>>, %arg8: memref<1x32xf32, #tpu.memory_space<vmem>>, %arg9: memref<64x32xf32, #tpu.memory_space<vmem>>, %arg10: memref<1x32xf32, #tpu.memory_space<vmem>>, %arg11: memref<32x32xf32, #tpu.memory_space<vmem>>, %arg12: memref<1x32xf32, #tpu.memory_space<vmem>>, %arg13: memref<2048xf32, #tpu.memory_space<vmem>>) attributes {dimension_semantics = [#tpu.dimension_semantics<arbitrary>], iteration_bounds = array<i64: 8>, scalar_prefetch = 0 : i64, scratch_operands = 0 : i64, tpu.core_type = #tpu.core_type<tc>, window_params = [{transform_indices = @transform_0, window_bounds = array<i64: 2048, 1>}, {transform_indices = @transform_1, window_bounds = array<i64: 2048, 1>}, {transform_indices = @transform_2, window_bounds = array<i64: 2048, 128>}, {transform_indices = @transform_3, window_bounds = array<i64: 2048, 128>}, {pipeline_mode = #tpu.pipeline_mode<synchronous>, transform_indices = @transform_4, window_bounds = array<i64: 64, 32>}, {pipeline_mode = #tpu.pipeline_mode<synchronous>, transform_indices = @transform_5, window_bounds = array<i64: 1, 32>}, {pipeline_mode = #tpu.pipeline_mode<synchronous>, transform_indices = @transform_6, window_bounds = array<i64: 32, 32>}, {pipeline_mode = #tpu.pipeline_mode<synchronous>, transform_indices = @transform_7, window_bounds = array<i64: 1, 32>}, {pipeline_mode = #tpu.pipeline_mode<synchronous>, transform_indices = @transform_8, window_bounds = array<i64: 64, 32>}, {pipeline_mode = #tpu.pipeline_mode<synchronous>, transform_indices = @transform_9, window_bounds = array<i64: 1, 32>}, {pipeline_mode = #tpu.pipeline_mode<synchronous>, transform_indices = @transform_10, window_bounds = array<i64: 32, 32>}, {pipeline_mode = #tpu.pipeline_mode<synchronous>, transform_indices = @transform_11, window_bounds = array<i64: 1, 32>}, {transform_indices = @transform_12, window_bounds = array<i64: 2048>}]} {
    %get3A = arith.constant 0 : index
    %get3A_0 = arith.constant 0 : index
    %get3A_1 = vector.load %arg1[%get3A, %get3A_0] : memref<2048x1xf32, #tpu.memory_space<vmem>>, vector<2048x1xf32>
    %get3A_2 = arith.constant 0 : index
    %get3A_3 = arith.constant 0 : index
    %get3A_4 = vector.load %arg2[%get3A_2, %get3A_3] : memref<2048x1xf32, #tpu.memory_space<vmem>>, vector<2048x1xf32>
    %get3A_5 = arith.constant 0 : index
    %get3A_6 = arith.constant 0 : index
    %get3A_7 = vector.load %arg3[%get3A_5, %get3A_6] : memref<2048x128xf32, #tpu.memory_space<vmem>>, vector<2048x128xf32>
    %get3A_8 = arith.constant 0 : index
    %get3A_9 = arith.constant 0 : index
    %get3A_10 = vector.load %arg4[%get3A_8, %get3A_9] : memref<2048x128xf32, #tpu.memory_space<vmem>>, vector<2048x128xf32>
    %slice3A = vector.extract_strided_slice %get3A_7 {offsets = [0, 0], sizes = [2048, 64], strides = [1, 1]} : vector<2048x128xf32> to vector<2048x64xf32>
    %sub3A = arith.constant 1.000000e+00 : f32
    %sub3A_11 = vector.broadcast %sub3A : f32 to vector<2048x1xf32>
    %sub3A_12 = arith.subf %sub3A_11, %get3A_1 : vector<2048x1xf32>
    %mul3A = vector.broadcast %sub3A_12 : vector<2048x1xf32> to vector<2048x64xf32>
    %mul3A_13 = arith.mulf %slice3A, %mul3A : vector<2048x64xf32>
    %slice3A_14 = vector.extract_strided_slice %get3A_7 {offsets = [0, 64], sizes = [2048, 64], strides = [1, 1]} : vector<2048x128xf32> to vector<2048x64xf32>
    %mul3A_15 = vector.broadcast %get3A_1 : vector<2048x1xf32> to vector<2048x64xf32>
    %mul3A_16 = arith.mulf %slice3A_14, %mul3A_15 : vector<2048x64xf32>
    %add3A = arith.addf %mul3A_13, %mul3A_16 : vector<2048x64xf32>
    %slice3A_17 = vector.extract_strided_slice %get3A_10 {offsets = [0, 0], sizes = [2048, 64], strides = [1, 1]} : vector<2048x128xf32> to vector<2048x64xf32>
    %sub3A_18 = arith.constant 1.000000e+00 : f32
    %sub3A_19 = vector.broadcast %sub3A_18 : f32 to vector<2048x1xf32>
    %sub3A_20 = arith.subf %sub3A_19, %get3A_4 : vector<2048x1xf32>
    %mul3A_21 = vector.broadcast %sub3A_20 : vector<2048x1xf32> to vector<2048x64xf32>
    %mul3A_22 = arith.mulf %slice3A_17, %mul3A_21 : vector<2048x64xf32>
    %slice3A_23 = vector.extract_strided_slice %get3A_10 {offsets = [0, 64], sizes = [2048, 64], strides = [1, 1]} : vector<2048x128xf32> to vector<2048x64xf32>
    %mul3A_24 = vector.broadcast %get3A_4 : vector<2048x1xf32> to vector<2048x64xf32>
    %mul3A_25 = arith.mulf %slice3A_23, %mul3A_24 : vector<2048x64xf32>
    %add3A_26 = arith.addf %mul3A_22, %mul3A_25 : vector<2048x64xf32>
    %get3A_27 = arith.constant 0 : index
    %get3A_28 = arith.constant 0 : index
    %get3A_29 = vector.load %arg5[%get3A_27, %get3A_28] : memref<64x32xf32, #tpu.memory_space<vmem>>, vector<64x32xf32>
    %dot_general3A = arith.constant dense<0.000000e+00> : vector<2048x32xf32>
    %dot_general3A_30 = tpu.matmul %add3A, %get3A_29, %dot_general3A {dimension_numbers = #tpu.dot_dimension_numbers<[1], [0], [0], [1], [0, 0, 1, 1], [], []>, transpose_lhs_hint = false} : vector<2048x64xf32>, vector<64x32xf32>, vector<2048x32xf32> -> vector<2048x32xf32>
    %get3A_31 = arith.constant 0 : index
    %get3A_32 = arith.constant 0 : index
    %get3A_33 = vector.load %arg6[%get3A_31, %get3A_32] : memref<1x32xf32, #tpu.memory_space<vmem>>, vector<1x32xf32>
    %add3A_34 = vector.broadcast %get3A_33 : vector<1x32xf32> to vector<2048x32xf32>
    %add3A_35 = arith.addf %dot_general3A_30, %add3A_34 : vector<2048x32xf32>
    %max3A = arith.constant 0.000000e+00 : f32
    %max3A_36 = vector.broadcast %max3A : f32 to vector<2048x32xf32>
    %max3A_37 = arith.maximumf %add3A_35, %max3A_36 : vector<2048x32xf32>
    %get3A_38 = arith.constant 0 : index
    %get3A_39 = arith.constant 0 : index
    %get3A_40 = vector.load %arg7[%get3A_38, %get3A_39] : memref<32x32xf32, #tpu.memory_space<vmem>>, vector<32x32xf32>
    %dot_general3A_41 = arith.constant dense<0.000000e+00> : vector<2048x32xf32>
    %dot_general3A_42 = tpu.matmul %max3A_37, %get3A_40, %dot_general3A_41 {dimension_numbers = #tpu.dot_dimension_numbers<[1], [0], [0], [1], [0, 0, 1, 1], [], []>, transpose_lhs_hint = false} : vector<2048x32xf32>, vector<32x32xf32>, vector<2048x32xf32> -> vector<2048x32xf32>
    %get3A_43 = arith.constant 0 : index
    %get3A_44 = arith.constant 0 : index
    %get3A_45 = vector.load %arg8[%get3A_43, %get3A_44] : memref<1x32xf32, #tpu.memory_space<vmem>>, vector<1x32xf32>
    %add3A_46 = vector.broadcast %get3A_45 : vector<1x32xf32> to vector<2048x32xf32>
    %add3A_47 = arith.addf %dot_general3A_42, %add3A_46 : vector<2048x32xf32>
    %get3A_48 = arith.constant 0 : index
    %get3A_49 = arith.constant 0 : index
    %get3A_50 = vector.load %arg9[%get3A_48, %get3A_49] : memref<64x32xf32, #tpu.memory_space<vmem>>, vector<64x32xf32>
    %dot_general3A_51 = arith.constant dense<0.000000e+00> : vector<2048x32xf32>
    %dot_general3A_52 = tpu.matmul %add3A_26, %get3A_50, %dot_general3A_51 {dimension_numbers = #tpu.dot_dimension_numbers<[1], [0], [0], [1], [0, 0, 1, 1], [], []>, transpose_lhs_hint = false} : vector<2048x64xf32>, vector<64x32xf32>, vector<2048x32xf32> -> vector<2048x32xf32>
    %get3A_53 = arith.constant 0 : index
    %get3A_54 = arith.constant 0 : index
    %get3A_55 = vector.load %arg10[%get3A_53, %get3A_54] : memref<1x32xf32, #tpu.memory_space<vmem>>, vector<1x32xf32>
    %add3A_56 = vector.broadcast %get3A_55 : vector<1x32xf32> to vector<2048x32xf32>
    %add3A_57 = arith.addf %dot_general3A_52, %add3A_56 : vector<2048x32xf32>
    %max3A_58 = arith.constant 0.000000e+00 : f32
    %max3A_59 = vector.broadcast %max3A_58 : f32 to vector<2048x32xf32>
    %max3A_60 = arith.maximumf %add3A_57, %max3A_59 : vector<2048x32xf32>
    %get3A_61 = arith.constant 0 : index
    %get3A_62 = arith.constant 0 : index
    %get3A_63 = vector.load %arg11[%get3A_61, %get3A_62] : memref<32x32xf32, #tpu.memory_space<vmem>>, vector<32x32xf32>
    %dot_general3A_64 = arith.constant dense<0.000000e+00> : vector<2048x32xf32>
    %dot_general3A_65 = tpu.matmul %max3A_60, %get3A_63, %dot_general3A_64 {dimension_numbers = #tpu.dot_dimension_numbers<[1], [0], [0], [1], [0, 0, 1, 1], [], []>, transpose_lhs_hint = false} : vector<2048x32xf32>, vector<32x32xf32>, vector<2048x32xf32> -> vector<2048x32xf32>
    %get3A_66 = arith.constant 0 : index
    %get3A_67 = arith.constant 0 : index
    %get3A_68 = vector.load %arg12[%get3A_66, %get3A_67] : memref<1x32xf32, #tpu.memory_space<vmem>>, vector<1x32xf32>
    %add3A_69 = vector.broadcast %get3A_68 : vector<1x32xf32> to vector<2048x32xf32>
    %add3A_70 = arith.addf %dot_general3A_65, %add3A_69 : vector<2048x32xf32>
    %mul3A_71 = arith.mulf %add3A_47, %add3A_47 : vector<2048x32xf32>
    %reduce_sum3A = arith.constant dense<0.000000e+00> : vector<2048xf32>
    %reduce_sum3A_72 = vector.multi_reduction <add>, %mul3A_71, %reduce_sum3A [1] : vector<2048x32xf32> to vector<2048xf32>
    %sqrt3A = math.sqrt %reduce_sum3A_72 : vector<2048xf32>
    %mul3A_73 = arith.mulf %add3A_70, %add3A_70 : vector<2048x32xf32>
    %reduce_sum3A_74 = arith.constant dense<0.000000e+00> : vector<2048xf32>
    %reduce_sum3A_75 = vector.multi_reduction <add>, %mul3A_73, %reduce_sum3A_74 [1] : vector<2048x32xf32> to vector<2048xf32>
    %sqrt3A_76 = math.sqrt %reduce_sum3A_75 : vector<2048xf32>
    %mul3A_77 = arith.mulf %add3A_47, %add3A_70 : vector<2048x32xf32>
    %reduce_sum3A_78 = arith.constant dense<0.000000e+00> : vector<2048xf32>
    %reduce_sum3A_79 = vector.multi_reduction <add>, %mul3A_77, %reduce_sum3A_78 [1] : vector<2048x32xf32> to vector<2048xf32>
    %max3A_80 = arith.constant 9.99999996E-13 : f32
    %max3A_81 = vector.broadcast %max3A_80 : f32 to vector<2048xf32>
    %max3A_82 = arith.maximumf %sqrt3A, %max3A_81 : vector<2048xf32>
    %max3A_83 = arith.constant 9.99999996E-13 : f32
    %max3A_84 = vector.broadcast %max3A_83 : f32 to vector<2048xf32>
    %max3A_85 = arith.maximumf %sqrt3A_76, %max3A_84 : vector<2048xf32>
    %mul3A_86 = arith.mulf %max3A_82, %max3A_85 : vector<2048xf32>
    %div3A = arith.divf %reduce_sum3A_79, %mul3A_86 : vector<2048xf32>
    %swap3A = arith.constant 0 : index
    %swap3A_87 = vector.load %arg13[%swap3A] : memref<2048xf32, #tpu.memory_space<vmem>>, vector<2048xf32>
    tpu.vector_store %arg13[%swap3A], %div3A {strides = array<i32>} : memref<2048xf32, #tpu.memory_space<vmem>>, vector<2048xf32>,
    return
  }
  func.func @transform_0(%arg0: i32) -> (i32, i32) {
    %c0_i32 = arith.constant 0 : i32
    %c0_i32_0 = arith.constant 0 : i32
    return %arg0, %c0_i32 : i32, i32
  }
  func.func @transform_1(%arg0: i32) -> (i32, i32) {
    %c0_i32 = arith.constant 0 : i32
    %c0_i32_0 = arith.constant 0 : i32
    return %arg0, %c0_i32 : i32, i32
  }
  func.func @transform_2(%arg0: i32) -> (i32, i32) {
    %c0_i32 = arith.constant 0 : i32
    %c0_i32_0 = arith.constant 0 : i32
    return %arg0, %c0_i32 : i32, i32
  }
  func.func @transform_3(%arg0: i32) -> (i32, i32) {
    %c0_i32 = arith.constant 0 : i32
    %c0_i32_0 = arith.constant 0 : i32
    return %arg0, %c0_i32 : i32, i32
  }
  func.func @transform_4(%arg0: i32) -> (i32, i32) {
    %c0_i32 = arith.constant 0 : i32
    %c0_i32_0 = arith.constant 0 : i32
    %c0_i32_1 = arith.constant 0 : i32
    return %c0_i32, %c0_i32_0 : i32, i32
  }
  func.func @transform_5(%arg0: i32) -> (i32, i32) {
    %c0_i32 = arith.constant 0 : i32
    %c0_i32_0 = arith.constant 0 : i32
    %c0_i32_1 = arith.constant 0 : i32
    return %c0_i32, %c0_i32_0 : i32, i32
  }
  func.func @transform_6(%arg0: i32) -> (i32, i32) {
    %c0_i32 = arith.constant 0 : i32
    %c0_i32_0 = arith.constant 0 : i32
    %c0_i32_1 = arith.constant 0 : i32
    return %c0_i32, %c0_i32_0 : i32, i32
  }
  func.func @transform_7(%arg0: i32) -> (i32, i32) {
    %c0_i32 = arith.constant 0 : i32
    %c0_i32_0 = arith.constant 0 : i32
    %c0_i32_1 = arith.constant 0 : i32
    return %c0_i32, %c0_i32_0 : i32, i32
  }
  func.func @transform_8(%arg0: i32) -> (i32, i32) {
    %c0_i32 = arith.constant 0 : i32
    %c0_i32_0 = arith.constant 0 : i32
    %c0_i32_1 = arith.constant 0 : i32
    return %c0_i32, %c0_i32_0 : i32, i32
  }
  func.func @transform_9(%arg0: i32) -> (i32, i32) {
    %c0_i32 = arith.constant 0 : i32
    %c0_i32_0 = arith.constant 0 : i32
    %c0_i32_1 = arith.constant 0 : i32
    return %c0_i32, %c0_i32_0 : i32, i32
  }
  func.func @transform_10(%arg0: i32) -> (i32, i32) {
    %c0_i32 = arith.constant 0 : i32
    %c0_i32_0 = arith.constant 0 : i32
    %c0_i32_1 = arith.constant 0 : i32
    return %c0_i32, %c0_i32_0 : i32, i32
  }
  func.func @transform_11(%arg0: i32) -> (i32, i32) {
    %c0_i32 = arith.constant 0 : i32
    %c0_i32_0 = arith.constant 0 : i32
    %c0_i32_1 = arith.constant 0 : i32
    return %c0_i32, %c0_i32_0 : i32, i32
  }
  func.func @transform_12(%arg0: i32) -> i32 {
    %c0_i32 = arith.constant 0 : i32
    return %arg0 : i32
  }
}

</mosaic_0001>

<sc_bundles>
// kernel: kernel.4.cloned.1.call-start
scs
__scs_entry_jumppad:
0x0: {  	(pc) =	sbr.rel $0x88, $3  }
0x1: {  	(tag) =	ssettag $0x0;
	lr =	simm.s32 $0x1  }
0x2: {  	[smem:$0x3F95] =	sst lr;
	_ =	strace $0xD0000000  }
0x3: {  	_ = 	snop  }
0x4: {  	_ = 	snop  }
0x5: {  	_ = 	snop  }
0x6: {  	_ = 	snop  }
0x7: {  	_ = 	snop  }
__scs_overlays_trampoline_lowered:
0x8: {  	[smem:$0x3FA4] =	sst s0  }
0x9: {  	[smem:$0x3FA5] =	sst s1  }
0xa: {  	[smem:$0x3FA6] =	sst s2  }
0xb: {  	[smem:$0x3FA7] =	sst s3  }
0xc: {  	[smem:$0x3FA8] =	sst s4  }
0xd: {  	[smem:$0x3FA9] =	sst s5  }
0xe: {  	[smem:$0x3FAA] =	sst s6  }
0xf: {  	[smem:$0x3FAB] =	sst s7  }
0x10: {  	[smem:$0x3FAC] =	sst s8  }
0x11: {  	[smem:$0x3FAD] =	sst s9;
	s0 =	simm.s32 @!p0 $0x0  }
0x12: {  	s1 =	sld [smem:$0x3F93];
	s0 =	simm.s32 @p0 $0x1  }
0x13: {  	[smem:$0x3FAE] =	sst s0;
	s0 =	simm.s32 @!p1 $0x0  }
0x14: {  	s2 =	sld [smem:$0x3F92];
	s0 =	simm.s32 @p1 $0x1  }
0x15: {  	[smem:$0x3FAF] =	sst s0;
	s0 =	simm.s32 @!p2 $0x0  }
0x16: {  	s3 =	sld [smem:$0x3FDB];
	s0 =	simm.s32 @p2 $0x1  }
0x17: {  	s4 =	simm.s32 $0x1BF5;
	[smem:$0x3FB1] =	sst s0  }
0x18: {  	s0 =	sld [smem:$0x3F94];
	_ =	swait.ge [sflag:s4], $0x0  }
0x19: {  	s7 =	sld [smem:$0x3F95]  }
0x1a: {  	s8 =	sadd.s32 $0xFFFFE003, lr  }
0x1b: {  	s9 =	sadd.s32 $0xFFFFFEF7, lr;
	s5 =	simm.s32 $0xFFFFFFFF;
	p2 =	slt.u32 s8, $0xFFFFF086  }
0x1c: {  	p1 =	slt.u32 s9, $0xF7A;
	s5 =	simm.s32 @!p2 $0x0  }
0x1d: {  	s5 =	simm.s32 @p1 $0x1;
	p0 =	seq.s32 s7, s2  }
0x1e: {  	s7 =	smul.u32 @!p0 $0xF7A, s2;
	p2 =	seq.s32 @!p0 s5, $0x0  }
0x1f: {  	s9 =	smul.u32 $0xF7A, s1;
	s8 =	simm.s32 @!p0 $0x1BF5;
	p2 =	por !p2, p0  }
0x20: {  	[sflag:s8] =	ssyncset.s32 @!p0 $0xFFFFF086;
	s6 =	sadd.s32 @!p0 s3, s7;
	s7 =	simm.s32 @!p0 $0x108  }
0x21: {  	s3 =	sadd.s32 s3, s9;
	s6 =	sadd.s32 @!p0 $0x88, s6;
	s7 =	simm.s32 @p2 $0x1082  }
0x22: {  	[simem:s7], [sflag:s8] =	dma.local @!p0 [hbm:s6], $0xF7A  }
0x23: {  	s9 =	sor.u32 $0xD0000000, s2;
	s6 =	simm.s32 $0x108;
	_ =	swait.ge @!p0 [sflag:s8], $0x0  }
0x24: {  	s3 =	sadd.s32 $0x88, s3;
	s6 =	simm.s32 @!p1 $0x1082;
	[sflag:s4] =	ssyncset.s32 $0xFFFFF086  }
0x25: {  	[simem:s6], [sflag:s4] =	dma.local [hbm:s3], $0xF7A  }
0x26: {  	[smem:$0x3F95] =	sst s1;
	(tag) =	ssettag s2;
	_ =	strace s9  }
0x27: {  	s1 =	sld [smem:$0x3FA5]  }
0x28: {  	s2 =	sld [smem:$0x3FA6]  }
0x29: {  	s4 =	sld [smem:$0x3FA8]  }
0x2a: {  	p0 =	seq.s32 s5, $0x0;
	s5 =	sld [smem:$0x3FA9]  }
0x2b: {  	s6 =	sld [smem:$0x3FAA]  }
0x2c: {  	s7 =	sld [smem:$0x3FAB]  }
0x2d: {  	s3 =	simm.s32 $0x108;
	s8 =	sld [smem:$0x3FAC]  }
0x2e: {  	s3 =	simm.s32 @!p0 $0x1082;
	s9 =	sld [smem:$0x3FAD]  }
0x2f: {  	lr =	sadd.s32 s0, s3;
	s0 =	sld [smem:$0x3FA4]  }
0x30: {  	s3 =	sld [smem:$0x3FA7]  }
0x31: {  	[smem:$0x3FB0] =	sst s10  }
0x32: {  	s10 =	sld [smem:$0x3FAE];
	_ =	sdelay $0x3  }
0x33: {  	p0 =	seq.s32 s10, $0x1;
	s10 =	sld [smem:$0x3FB0];
	_ =	sdelay $0x3  }
0x34: {  	[smem:$0x3FB0] =	sst s10  }
0x35: {  	s10 =	sld [smem:$0x3FAF];
	_ =	sdelay $0x3  }
0x36: {  	p1 =	seq.s32 s10, $0x1;
	s10 =	sld [smem:$0x3FB0];
	_ =	sdelay $0x3  }
0x37: {  	[smem:$0x3FB0] =	sst s10  }
0x38: {  	s10 =	sld [smem:$0x3FB1]  }
0x39: {  	_ = 	snop;
	(pc) =	sbr.ind lr, $3  }
0x3a: {  	_ = 	snop  }
0x3b: {  	_ = 	snop  }
0x3c: {  	p2 =	seq.s32 s10, $0x1;
	s10 =	sld [smem:$0x3FB0]  }
0x3d: {  	_ =	shalt  }
0x3e: {  	_ =	shalt  }
0x3f: {  	_ =	shalt  }
0x40: {  	_ =	shalt  }
0x41: {  	_ =	shalt  }
0x42: {  	_ =	shalt  }
0x43: {  	_ =	shalt  }
0x44: {  	_ =	shalt  }
0x45: {  	_ =	shalt  }
0x46: {  	_ =	shalt  }
0x47: {  	_ =	shalt  }
0x48: {  	_ =	shalt  }
0x49: {  	_ =	shalt  }
0x4a: {  	_ =	shalt  }
0x4b: {  	_ =	shalt  }
0x4c: {  	_ =	shalt  }
0x4d: {  	_ =	shalt  }
0x4e: {  	_ =	shalt  }
0x4f: {  	_ =	shalt  }
0x50: {  	_ =	shalt  }
0x51: {  	_ =	shalt  }
0x52: {  	_ =	shalt  }
0x53: {  	_ =	shalt  }
0x54: {  	_ =	shalt  }
0x55: {  	_ =	shalt  }
0x56: {  	_ =	shalt  }
0x57: {  	_ =	shalt  }
0x58: {  	_ =	shalt  }
0x59: {  	_ =	shalt  }
0x5a: {  	_ =	shalt  }
0x5b: {  	_ =	shalt  }
0x5c: {  	_ =	shalt  }
0x5d: {  	_ =	shalt  }
0x5e: {  	_ =	shalt  }
0x5f: {  	_ =	shalt  }
0x60: {  	_ =	shalt  }
0x61: {  	_ =	shalt  }
0x62: {  	_ =	shalt  }
0x63: {  	_ =	shalt  }
0x64: {  	_ =	shalt  }
0x65: {  	_ =	shalt  }
0x66: {  	_ =	shalt  }
0x67: {  	_ =	shalt  }
0x68: {  	_ =	shalt  }
0x69: {  	_ =	shalt  }
0x6a: {  	_ =	shalt  }
0x6b: {  	_ =	shalt  }
0x6c: {  	_ =	shalt  }
0x6d: {  	_ =	shalt  }
0x6e: {  	_ =	shalt  }
0x6f: {  	_ =	shalt  }
0x70: {  	_ =	shalt  }
0x71: {  	_ =	shalt  }
0x72: {  	_ =	shalt  }
0x73: {  	_ =	shalt  }
0x74: {  	_ =	shalt  }
0x75: {  	_ =	shalt  }
0x76: {  	_ =	shalt  }
0x77: {  	_ =	shalt  }
0x78: {  	_ =	shalt  }
0x79: {  	_ =	shalt  }
0x7a: {  	_ =	shalt  }
0x7b: {  	_ =	shalt  }
0x7c: {  	_ =	shalt  }
0x7d: {  	_ =	shalt  }
0x7e: {  	_ =	shalt  }
0x7f: {  	_ =	shalt  }
0x80: {  	_ =	shalt  }
0x81: {  	_ =	shalt  }
0x82: {  	_ =	shalt  }
0x83: {  	_ =	shalt  }
0x84: {  	_ =	shalt  }
0x85: {  	_ =	shalt  }
0x86: {  	_ =	shalt  }
0x87: {  	_ =	shalt  }
.Lfunc_end0:
.L_simem_size_0:
called_computation_lowered:
.L_overlay_start_0:
0x88: {  	s2 =	sld [smem:$0x3FD9]  }
0x89: {  	s3 =	sld [smem:$0x3FFE];
	_ =	sdelay $0x1  }
0x8a: {  	s1 =	srdreg.scid  }
0x8b: {  	s0 =	sand.u32 $0x1, s1  }
0x8c: {  	s17 =	sshll.u32 s0, $0xA;
	s2 =	sadd.s32 s3, s2  }
0x8d: {  	s2 =	sadd.s32 s2, s17  }
0x8e: {  	[smem:$0x3FBC] =	sst s2  }
0x8f: {  	_ = 	snop  }
0x90: {  	s2 =	sld [smem:$0x3FD0];
	(tm) =	ssettm $0x1  }
0x91: {  	s18 =	sld [smem:$0x3FFB];
	_ =	sdelay $0x3  }
0x92: {  	_ =	strace s18  }
0x93: {  	s3 =	sld [smem:$0x3FFC];
	_ =	sdelay $0x3  }
0x94: {  	_ =	strace s3  }
0x95: {  	s3 =	sld [smem:$0x3FFD];
	_ =	sdelay $0x3  }
0x96: {  	_ =	strace s3  }
0x97: {  	_ =	strace $0x8FFFFFFF  }
0x98: {  	s19 =	sld [smem:$0x3FDB];
	_ =	sdelay $0x1  }
0x99: {  	s4 =	simm.s32 $_scs_section_size  }
0x9a: {  	s5 =	simm.s32 $_size__tile_overlayer_lowered;
	s6 =	simm.s32 $_tile_overlayer_lowered  }
0x9b: {  	s22 =	simm.s32 $0x1BFF;
	s21 =	sshll.u32 s6, $0x1;
	s3 =	sadd.s32 s4, s19  }
0x9c: {  	s7 =	simm.s32 $0x0;
	s20 =	sshll.u32 s5, $0x1;
	s5 =	sadd.s32 s21, s3  }
0x9d: {  	[timem:s7], [sflag:s22] =	dma.local [hbm:s5], s20  }
0x9e: {  	_ =	swait.ge [sflag:s22], s20  }
0x9f: {  	s4 =	ssub.s32 $0x0, s20;
	[sflag:s22] =	ssyncset.done $0x0  }
0xa0: {  	[sflag:s22] =	ssyncadd.s32 s4;
	_ =	sdelay $0x1  }
0xa1: {  	s23 =	simm.s32 $0x1B8B  }
0xa2: {  	_ =	swait.ge [sflag:s23], $0x1  }
0xa3: {  	[sflag:s23] =	ssyncset.done $0x0  }
0xa4: {  	s25 =	simm.s32 $0x1B8E;
	s24 =	sld [smem:$0x3FFE];
	[sflag:s23] =	ssyncadd.s32 $0xFFFFFFFF  }
0xa5: {  	s26 =	simm.s32 $execute0_lowered;
	[smem:$0x3FD2] =	sst s25  }
0xa6: {  	s5 =	sshll.u32 s26, $0x1;
	_ =	strace $0x80000046;
	[dreg:$0x1] =	wrdreg $0xFFFFFFFF  }
0xa7: {  	s28 =	simm.s32 $_size_execute0_lowered;
	s3 =	sadd.s32 s3, s5;
	[dreg:$0x0] =	wrdreg $0x0  }
0xa8: {  	s5 =	sshll.u32 s28, $0x1;
	[dreg:$0x2] =	wrdreg s3  }
0xa9: {  	[dreg:$0x3] =	wrdreg s5  }
0xaa: {  	[dreg:$0x4] =	wrdreg $0xC0  }
0xab: {  	_ =	task [dreg:s7], $0x5FFFF  }
0xac: {  	[dreg:$0x1] =	wrdreg $0xFFFFFFFF  }
0xad: {  	[dreg:$0x0] =	wrdreg $0x60  }
0xae: {  	[dreg:$0x2] =	wrdreg s24  }
0xaf: {  	[dreg:$0x3] =	wrdreg s2  }
0xb0: {  	[dreg:$0x4] =	wrdreg $0x9  }
0xb1: {  	_ =	task.clear_ibuf [dreg:s7], $0x5FFFF;
	_ =	strace $0x90000046  }
0xb2: {  	s29 =	simm.s32 $0x9;
	_ =	strace $0x80000048  }
0xb3: {  	_ =	swait.ge [sflag:s29], $0x1  }
0xb4: {  	[sflag:s29] =	ssyncadd.s32 $0xFFFFFFFF  }
0xb5: {  	_ =	strace $0x90000048  }
0xb6: {  	_ =	sfence  }
0xb7: {  	s30 =	sld [smem:$0x0];
	_ =	sdelay $0x2  }
0xb8: {  	s31 =	sshll.u32 s1, $0xD;
	s1 =	sshrl.u32 s1, $0x2  }
0xb9: {  	s3 =	sand.u32 $0x4000, s31;
	s1 =	sadd.s32 s1, s30  }
0xba: {  	s0 =	sor.u32 s3, s0;
	s1 =	sshll.u32 s1, $0x11  }
0xbb: {  	s0 =	sor.u32 s1, s0  }
0xbc: {  	s0 =	sadd.s32 $0x8F2B, s0  }
0xbd: {  	[sflag:s0] =	ssyncadd.remote.s32 $0x1  }
0xbe: {  	_ =	sfence.sel $0xFFFF  }
0xbf: {  	[dreg:$0x0] =	wrdreg $0xFFFFFFFF;
	(pc) =	sbr.abs _section_cstart, $3  }
0xc0: {  	[dreg:$0x1] =	wrdreg $0xFFFFFFFF  }
0xc1: {  	_ =	task.clear_ibuf [dreg:s7], $0x2FFFF;
	_ =	strace $0x9FFFFFFF  }
0xc2: {  	(tm) =	ssettm $0x7FFFFFFF  }
0xc3: {  	_ =	shalt  }
tec
execute0_lowered:
.L_overlay_start_1:
0x0: {  	(tag) =	ssettag $0x1  }
0x1: {  	s0 =	srdreg.scid;
	s1 =	rddreg [dreg:$0x0]  }
0x2: {  	s16 =	stileid.u32;
	s4 =	rddreg [dreg:$0x1]  }
0x3: {  	s31 =	simm.s32 $0x5;
	s30 =	simm.s32 $0x200;
	s29 =	simm.s32 $0x80  }
0x4: {  	s28 =	simm.s32 $0x280;
	p0 =	por $0x0, $0x0;
	s0 =	sand.u32 $0x1, s0  }
0x5: {  	s2 =	sshll.u32 s16, $0xA;
	s7 =	sadd.s32 $0x3A00, s1;
	s3 =	sshll.u32 s0, $0x9  }
0x6: {  	s0 =	ssub.s32 $0x2, s0;
	s3 =	sor.u32 s3, s2;
	s2 =	simm.s32 $0x0  }
0x7: {  	s23 =	sshrl.u32 s0, $0x1;
	s5 =	sshrl.u32 s3, $0x3;
	[smem:$0x7FF] =	sst s2  }
0x8: {  	s26 =	sshll.u32 s3, $0x4;
	s0 =	ssub.s32 s0, s23;
	s6 =	sadd.s32 s5, s1  }
0x9: {  	_ =	strace $0x80000047;
	s4 =	sadd.s32 s4, s5;
	s3 =	sadd.s32 s7, s26  }
0xa: {  	s10 =	sor.u32 $0x400, s26;
	s13 =	sor.u32 $0x800, s26;
	[dreg:$0x4] =	wrdreg s4  }
0xb: {  	s8 =	sor.u32 $0xC00, s26;
	s6 =	sadd.s32 $0x3200, s6;
	[dreg:$0x5] =	wrdreg s3  }
0xc: {  	s19 =	sor.u32 $0x1400, s26;
	s11 =	sadd.s32 s7, s10;
	[dreg:$0x3] =	wrdreg s6  }
0xd: {  	s22 =	sor.u32 $0x1800, s26;
	s14 =	sadd.s32 s7, s13;
	[dreg:$0x7] =	wrdreg s11  }
0xe: {  	s0 =	smax.u32 s0, $0x1;
	s15 =	sadd.s32 s7, s8;
	[dreg:$0x9] =	wrdreg s14  }
0xf: {  	s3 =	sadd.s32 $0xF44600, s1;
	s20 =	sadd.s32 s7, s19;
	[dreg:$0xb] =	wrdreg s15  }
0x10: {  	s24 =	sadd.s32 s7, s22;
	p1 =	sne.s32 s0, $0x1;
	[dreg:$0xf] =	wrdreg s20  }
0x11: {  	s23 =	sadd.s32 $0xFFFFFFFF, s0;
	s6 =	sadd.s32 $0x43A00, s1;
	[dreg:$0x11] =	wrdreg s24  }
0x12: {  	s15 =	simm.s32 $0x40;
	s14 =	simm.s32 $0x4400;
	s11 =	simm.s32 $0x6400  }
0x13: {  	s24 =	simm.s32 $0x100;
	s20 =	simm.s32 $0x180;
	s9 =	sadd.s32 s6, s26  }
0x14: {  	s12 =	sadd.s32 s6, s10;
	s4 =	sadd.s32 s6, s13;
	s0 =	rddreg [dreg:$0x3]  }
0x15: {  	s8 =	sadd.s32 s6, s8;
	s21 =	sadd.s32 s6, s19;
	[dreg:$0x6] =	wrdreg s9  }
0x16: {  	s25 =	sadd.s32 s6, s22;
	s13 =	simm.s32 $0x400;
	[dreg:$0x8] =	wrdreg s12  }
0x17: {  	s10 =	simm.s32 $0x2400;
	s22 =	simm.s32 $0x140;
	[dreg:$0xa] =	wrdreg s4  }
0x18: {  	s19 =	simm.s32 $0x380;
	s9 =	sor.u32 $0x1000, s26;
	[dreg:$0xc] =	wrdreg s8  }
0x19: {  	s4 =	sadd.s32 $0x16E5800, s1;
	[dreg:$0x10] =	wrdreg s21;
	s26 =	sor.u32 $0x1C00, s26  }
0x1a: {  	[dreg:$0x12] =	wrdreg s25;
	s12 =	simm.s32 $0x1;
	s1 =	simm.s32 $0x240  }
.Ltmp0:
0x1b: {  	s8 =	simm.s32 $0x3;
	s25 =	simm.s32 $0x2C0;
	(pc) =	sbr.rel @!p1 .LBB2_1-.Ltmp0, $4  }
0x1c: {  	s21 =	simm.s32 $0x340;
	s17 =	sadd.s32 s7, s9;
	s18 =	sadd.s32 s6, s9  }
0x1d: {  	s5 =	sadd.s32 s7, s26;
	s6 =	sadd.s32 s6, s26;
	s9 =	simm.s32 $0x2  }
0x1e: {  	s7 =	simm.s32 $0x4;
	s26 =	simm.s32 $0xC0;
	[dreg:$0xd] =	wrdreg s17  }
0x1f: {  	[dreg:$0xe] =	wrdreg s18;
	s18 =	simm.s32 $0x1C0;
	s17 =	simm.s32 $0x3C0  }
0x20: {  	[tilespmem:s2], [sflag:$0x5] =	stream.linear.gather [hbm4b:s0+s2], $0x200, $0x38;
	[tilespmem:$0x8400] =	vst v63  }
0x21: {  	_ =	swait.ge [sflag:s31], $0x200  }
0x22: {  	[sflag:s31] =	ssyncset.done $0x0  }
0x23: {  	s16 =	rddreg [dreg:$0x4];
	[sflag:s31] =	ssyncadd.s32 $0xFFFFFE00  }
0x24: {  	[tilespmem:s30], [sflag:$0x5] =	stream.linear.gather [hbm4b:s16+s2], $0x200, $0x38;
	[tilespmem:$0x8400] =	vst v63  }
0x25: {  	_ =	swait.ge [sflag:s31], $0x200  }
0x26: {  	[sflag:s31] =	ssyncset.done $0x0  }
0x27: {  	[sflag:s31] =	ssyncadd.s32 $0xFFFFFE00  }
0x28: {  	[tilespmem:s13], [sflag:$0x1] =	stream.indirect.gather [hbm4b:s3+s15], $0x80, s2, s15, $0xb8;
	[tilespmem:$0x8400] =	vst v63  }
0x29: {  	_ = 	snop  }
0x2a: {  	[tilespmem:s14], [sflag:$0x2] =	stream.indirect.gather [hbm4b:s4+s15], $0x80, s30, s15, $0xb8;
	[tilespmem:$0x8400] =	vst v63  }
0x2b: {  	_ =	swait.ge [sflag:s12], $0x2000  }
0x2c: {  	[sflag:s12] =	ssyncset.done $0x0  }
0x2d: {  	[sflag:s12] =	ssyncadd.s32 $0xFFFFE000  }
0x2e: {  	_ =	swait.ge [sflag:s9], $0x2000  }
0x2f: {  	[sflag:s9] =	ssyncset.done $0x0  }
0x30: {  	[sflag:s9] =	ssyncadd.s32 $0xFFFFE000  }
0x31: {  	[tilespmem:s10], [sflag:$0x1] =	stream.indirect.gather [hbm4b:s3+s15], $0x80, s15, s15, $0xb8;
	[tilespmem:$0x8400] =	vst v63  }
0x32: {  	_ = 	snop  }
0x33: {  	[tilespmem:s11], [sflag:$0x2] =	stream.indirect.gather [hbm4b:s4+s15], $0x80, s1, s15, $0xb8;
	[tilespmem:$0x8400] =	vst v63  }
0x34: {  	s0 =	rddreg [dreg:$0x5]  }
0x35: {  	[hbm4b:s0+s2] =	stream.linear.scatter [tilespmem:s13], [sflag:$0x3], $0x2000, $0x38;
	[tilespmem:$0x8400] =	vst v63  }
0x36: {  	s1 =	rddreg [dreg:$0x6]  }
0x37: {  	[hbm4b:s1+s2] =	stream.linear.scatter [tilespmem:s14], [sflag:$0x4], $0x2000, $0x38;
	[tilespmem:$0x8400] =	vst v63  }
0x38: {  	_ =	swait.ge [sflag:s12], $0x2000  }
0x39: {  	[sflag:s12] =	ssyncset.done $0x0  }
0x3a: {  	[sflag:s12] =	ssyncadd.s32 $0xFFFFE000  }
0x3b: {  	_ =	swait.ge [sflag:s9], $0x2000  }
0x3c: {  	[sflag:s9] =	ssyncset.done $0x0  }
0x3d: {  	[sflag:s9] =	ssyncadd.s32 $0xFFFFE000  }
0x3e: {  	_ =	swait.ge [sflag:s8], $0x2000  }
0x3f: {  	[sflag:s8] =	ssyncset.done $0x0  }
0x40: {  	[sflag:s8] =	ssyncadd.s32 $0xFFFFE000  }
0x41: {  	_ =	swait.ge [sflag:s7], $0x2000  }
0x42: {  	[sflag:s7] =	ssyncset.done $0x0  }
0x43: {  	[sflag:s7] =	ssyncadd.s32 $0xFFFFE000  }
0x44: {  	[tilespmem:s13], [sflag:$0x1] =	stream.indirect.gather [hbm4b:s3+s15], $0x80, s29, s15, $0xb8;
	[tilespmem:$0x8400] =	vst v63  }
0x45: {  	_ = 	snop  }
0x46: {  	[tilespmem:s14], [sflag:$0x2] =	stream.indirect.gather [hbm4b:s4+s15], $0x80, s28, s15, $0xb8;
	[tilespmem:$0x8400] =	vst v63  }
0x47: {  	s0 =	rddreg [dreg:$0x7]  }
0x48: {  	[hbm4b:s0+s2] =	stream.linear.scatter [tilespmem:s10], [sflag:$0x3], $0x2000, $0x38;
	[tilespmem:$0x8400] =	vst v63  }
0x49: {  	s1 =	rddreg [dreg:$0x8]  }
0x4a: {  	[hbm4b:s1+s2] =	stream.linear.scatter [tilespmem:s11], [sflag:$0x4], $0x2000, $0x38;
	[tilespmem:$0x8400] =	vst v63  }
0x4b: {  	_ =	swait.ge [sflag:s12], $0x2000  }
0x4c: {  	[sflag:s12] =	ssyncset.done $0x0  }
0x4d: {  	[sflag:s12] =	ssyncadd.s32 $0xFFFFE000  }
0x4e: {  	_ =	swait.ge [sflag:s9], $0x2000  }
0x4f: {  	[sflag:s9] =	ssyncset.done $0x0  }
0x50: {  	[sflag:s9] =	ssyncadd.s32 $0xFFFFE000  }
0x51: {  	_ =	swait.ge [sflag:s8], $0x2000  }
0x52: {  	[sflag:s8] =	ssyncset.done $0x0  }
0x53: {  	[sflag:s8] =	ssyncadd.s32 $0xFFFFE000  }
0x54: {  	_ =	swait.ge [sflag:s7], $0x2000  }
0x55: {  	[sflag:s7] =	ssyncset.done $0x0  }
0x56: {  	[sflag:s7] =	ssyncadd.s32 $0xFFFFE000  }
0x57: {  	[tilespmem:s10], [sflag:$0x1] =	stream.indirect.gather [hbm4b:s3+s15], $0x80, s26, s15, $0xb8;
	[tilespmem:$0x8400] =	vst v63  }
0x58: {  	_ = 	snop  }
0x59: {  	[tilespmem:s11], [sflag:$0x2] =	stream.indirect.gather [hbm4b:s4+s15], $0x80, s25, s15, $0xb8;
	[tilespmem:$0x8400] =	vst v63  }
0x5a: {  	s0 =	rddreg [dreg:$0x9]  }
0x5b: {  	[hbm4b:s0+s2] =	stream.linear.scatter [tilespmem:s13], [sflag:$0x3], $0x2000, $0x38;
	[tilespmem:$0x8400] =	vst v63  }
0x5c: {  	s1 =	rddreg [dreg:$0xa]  }
0x5d: {  	[hbm4b:s1+s2] =	stream.linear.scatter [tilespmem:s14], [sflag:$0x4], $0x2000, $0x38;
	[tilespmem:$0x8400] =	vst v63  }
0x5e: {  	_ =	swait.ge [sflag:s12], $0x2000  }
0x5f: {  	[sflag:s12] =	ssyncset.done $0x0  }
0x60: {  	[sflag:s12] =	ssyncadd.s32 $0xFFFFE000  }
0x61: {  	_ =	swait.ge [sflag:s9], $0x2000  }
0x62: {  	[sflag:s9] =	ssyncset.done $0x0  }
0x63: {  	[sflag:s9] =	ssyncadd.s32 $0xFFFFE000  }
0x64: {  	_ =	swait.ge [sflag:s8], $0x2000  }
0x65: {  	[sflag:s8] =	ssyncset.done $0x0  }
0x66: {  	[sflag:s8] =	ssyncadd.s32 $0xFFFFE000  }
0x67: {  	_ =	swait.ge [sflag:s7], $0x2000  }
0x68: {  	[sflag:s7] =	ssyncset.done $0x0  }
0x69: {  	[sflag:s7] =	ssyncadd.s32 $0xFFFFE000  }
0x6a: {  	[tilespmem:s13], [sflag:$0x1] =	stream.indirect.gather [hbm4b:s3+s15], $0x80, s24, s15, $0xb8;
	[tilespmem:$0x8400] =	vst v63  }
0x6b: {  	s1 =	simm.s32 $0x300  }
0x6c: {  	[tilespmem:s14], [sflag:$0x2] =	stream.indirect.gather [hbm4b:s4+s15], $0x80, s1, s15, $0xb8;
	[tilespmem:$0x8400] =	vst v63  }
0x6d: {  	s0 =	rddreg [dreg:$0xb]  }
0x6e: {  	[hbm4b:s0+s2] =	stream.linear.scatter [tilespmem:s10], [sflag:$0x3], $0x2000, $0x38;
	[tilespmem:$0x8400] =	vst v63  }
0x6f: {  	s1 =	rddreg [dreg:$0xc]  }
0x70: {  	[hbm4b:s1+s2] =	stream.linear.scatter [tilespmem:s11], [sflag:$0x4], $0x2000, $0x38;
	[tilespmem:$0x8400] =	vst v63  }
0x71: {  	_ =	swait.ge [sflag:s12], $0x2000  }
0x72: {  	[sflag:s12] =	ssyncset.done $0x0  }
0x73: {  	[sflag:s12] =	ssyncadd.s32 $0xFFFFE000  }
0x74: {  	_ =	swait.ge [sflag:s9], $0x2000  }
0x75: {  	[sflag:s9] =	ssyncset.done $0x0  }
0x76: {  	[sflag:s9] =	ssyncadd.s32 $0xFFFFE000  }
0x77: {  	_ =	swait.ge [sflag:s8], $0x2000  }
0x78: {  	[sflag:s8] =	ssyncset.done $0x0  }
0x79: {  	[sflag:s8] =	ssyncadd.s32 $0xFFFFE000  }
0x7a: {  	_ =	swait.ge [sflag:s7], $0x2000  }
0x7b: {  	[sflag:s7] =	ssyncset.done $0x0  }
0x7c: {  	[sflag:s7] =	ssyncadd.s32 $0xFFFFE000  }
0x7d: {  	[tilespmem:s10], [sflag:$0x1] =	stream.indirect.gather [hbm4b:s3+s15], $0x80, s22, s15, $0xb8;
	[tilespmem:$0x8400] =	vst v63  }
0x7e: {  	_ = 	snop  }
0x7f: {  	[tilespmem:s11], [sflag:$0x2] =	stream.indirect.gather [hbm4b:s4+s15], $0x80, s21, s15, $0xb8;
	[tilespmem:$0x8400] =	vst v63  }
0x80: {  	s0 =	rddreg [dreg:$0xd]  }
0x81: {  	[hbm4b:s0+s2] =	stream.linear.scatter [tilespmem:s13], [sflag:$0x3], $0x2000, $0x38;
	[tilespmem:$0x8400] =	vst v63  }
0x82: {  	s1 =	rddreg [dreg:$0xe]  }
0x83: {  	[hbm4b:s1+s2] =	stream.linear.scatter [tilespmem:s14], [sflag:$0x4], $0x2000, $0x38;
	[tilespmem:$0x8400] =	vst v63  }
0x84: {  	_ =	swait.ge [sflag:s12], $0x2000  }
0x85: {  	[sflag:s12] =	ssyncset.done $0x0  }
0x86: {  	[sflag:s12] =	ssyncadd.s32 $0xFFFFE000  }
0x87: {  	_ =	swait.ge [sflag:s9], $0x2000  }
0x88: {  	[sflag:s9] =	ssyncset.done $0x0  }
0x89: {  	[sflag:s9] =	ssyncadd.s32 $0xFFFFE000  }
0x8a: {  	_ =	swait.ge [sflag:s8], $0x2000  }
0x8b: {  	[sflag:s8] =	ssyncset.done $0x0  }
0x8c: {  	[sflag:s8] =	ssyncadd.s32 $0xFFFFE000  }
0x8d: {  	_ =	swait.ge [sflag:s7], $0x2000  }
0x8e: {  	[sflag:s7] =	ssyncset.done $0x0  }
0x8f: {  	[sflag:s7] =	ssyncadd.s32 $0xFFFFE000  }
0x90: {  	[tilespmem:s13], [sflag:$0x1] =	stream.indirect.gather [hbm4b:s3+s15], $0x80, s20, s15, $0xb8;
	[tilespmem:$0x8400] =	vst v63  }
0x91: {  	_ = 	snop  }
0x92: {  	[tilespmem:s14], [sflag:$0x2] =	stream.indirect.gather [hbm4b:s4+s15], $0x80, s19, s15, $0xb8;
	[tilespmem:$0x8400] =	vst v63  }
0x93: {  	s0 =	rddreg [dreg:$0xf]  }
0x94: {  	[hbm4b:s0+s2] =	stream.linear.scatter [tilespmem:s10], [sflag:$0x3], $0x2000, $0x38;
	[tilespmem:$0x8400] =	vst v63  }
0x95: {  	s1 =	rddreg [dreg:$0x10]  }
0x96: {  	[hbm4b:s1+s2] =	stream.linear.scatter [tilespmem:s11], [sflag:$0x4], $0x2000, $0x38;
	[tilespmem:$0x8400] =	vst v63  }
0x97: {  	_ =	swait.ge [sflag:s12], $0x2000  }
0x98: {  	[sflag:s12] =	ssyncset.done $0x0  }
0x99: {  	[sflag:s12] =	ssyncadd.s32 $0xFFFFE000  }
0x9a: {  	_ =	swait.ge [sflag:s9], $0x2000  }
0x9b: {  	[sflag:s9] =	ssyncset.done $0x0  }
0x9c: {  	[sflag:s9] =	ssyncadd.s32 $0xFFFFE000  }
0x9d: {  	_ =	swait.ge [sflag:s8], $0x2000  }
0x9e: {  	[sflag:s8] =	ssyncset.done $0x0  }
0x9f: {  	[sflag:s8] =	ssyncadd.s32 $0xFFFFE000  }
0xa0: {  	_ =	swait.ge [sflag:s7], $0x2000  }
0xa1: {  	[sflag:s7] =	ssyncset.done $0x0  }
0xa2: {  	[sflag:s7] =	ssyncadd.s32 $0xFFFFE000  }
0xa3: {  	[tilespmem:s10], [sflag:$0x1] =	stream.indirect.gather [hbm4b:s3+s15], $0x80, s18, s15, $0xb8;
	[tilespmem:$0x8400] =	vst v63  }
0xa4: {  	_ = 	snop  }
0xa5: {  	[tilespmem:s11], [sflag:$0x2] =	stream.indirect.gather [hbm4b:s4+s15], $0x80, s17, s15, $0xb8;
	[tilespmem:$0x8400] =	vst v63  }
0xa6: {  	s0 =	rddreg [dreg:$0x11]  }
0xa7: {  	[hbm4b:s0+s2] =	stream.linear.scatter [tilespmem:s13], [sflag:$0x3], $0x2000, $0x38;
	[tilespmem:$0x8400] =	vst v63  }
0xa8: {  	s1 =	rddreg [dreg:$0x12]  }
0xa9: {  	[hbm4b:s1+s2] =	stream.linear.scatter [tilespmem:s14], [sflag:$0x4], $0x2000, $0x38;
	[tilespmem:$0x8400] =	vst v63  }
0xaa: {  	_ =	swait.ge [sflag:s12], $0x2000  }
0xab: {  	[sflag:s12] =	ssyncset.done $0x0  }
0xac: {  	[sflag:s12] =	ssyncadd.s32 $0xFFFFE000  }
0xad: {  	_ =	swait.ge [sflag:s9], $0x2000  }
0xae: {  	[sflag:s9] =	ssyncset.done $0x0  }
0xaf: {  	[sflag:s9] =	ssyncadd.s32 $0xFFFFE000  }
0xb0: {  	[hbm4b:s5+s2] =	stream.linear.scatter [tilespmem:s10], [sflag:$0x3], $0x2000, $0x38;
	[tilespmem:$0x8400] =	vst v63  }
0xb1: {  	_ = 	snop  }
0xb2: {  	[hbm4b:s6+s2] =	stream.linear.scatter [tilespmem:s11], [sflag:$0x4], $0x2000, $0x38;
	[tilespmem:$0x8400] =	vst v63  }
0xb3: {  	_ =	swait.ge [sflag:s8], $0x2000  }
0xb4: {  	[sflag:s8] =	ssyncset.done $0x0  }
0xb5: {  	[sflag:s8] =	ssyncadd.s32 $0xFFFFE000  }
0xb6: {  	_ =	swait.ge [sflag:s7], $0x2000  }
0xb7: {  	s16 =	smov.u32 s23;
	[sflag:s7] =	ssyncset.done $0x0  }
0xb8: {  	p1 =	sne.s32 s16, $0x1;
	[sflag:s7] =	ssyncadd.s32 $0xFFFFE000  }
.Ltmp1:
0xb9: {  	_ =	swait.ge [sflag:s8], $0x2000;
	(pc) =	sbr.rel @!p1 .LBB2_3-.Ltmp1, $4  }
0xba: {  	[sflag:s8] =	ssyncset.done $0x0  }
0xbb: {  	[sflag:s8] =	ssyncadd.s32 $0xFFFFE000  }
0xbc: {  	p0 =	por $0x1, $0x1;
	s23 =	simm.s32 $0x240;
	_ =	swait.ge [sflag:s7], $0x2000  }
0xbd: {  	s1 =	sadd.s32 $0xFFFFFFFF, s16;
	s0 =	rddreg [dreg:$0x3];
	[sflag:s7] =	ssyncset.done $0x0  }
.LBB2_4:
0xbe: {  	[sflag:s7] =	ssyncadd.s32 $0xFFFFE000  }
0xbf: {  	[tilespmem:s2], [sflag:$0x5] =	stream.linear.gather [hbm4b:s0+s2], $0x200, $0x38;
	[tilespmem:$0x8400] =	vst v63  }
0xc0: {  	_ =	swait.ge [sflag:s31], $0x200  }
0xc1: {  	[sflag:s31] =	ssyncset.done $0x0  }
0xc2: {  	s16 =	rddreg [dreg:$0x4];
	[sflag:s31] =	ssyncadd.s32 $0xFFFFFE00  }
0xc3: {  	[tilespmem:s30], [sflag:$0x5] =	stream.linear.gather [hbm4b:s16+s2], $0x200, $0x38;
	[tilespmem:$0x8400] =	vst v63  }
0xc4: {  	_ =	swait.ge [sflag:s31], $0x200  }
0xc5: {  	[sflag:s31] =	ssyncset.done $0x0  }
0xc6: {  	[sflag:s31] =	ssyncadd.s32 $0xFFFFFE00  }
0xc7: {  	[tilespmem:s13], [sflag:$0x1] =	stream.indirect.gather [hbm4b:s3+s15], $0x80, s2, s15, $0xb8;
	[tilespmem:$0x8400] =	vst v63  }
0xc8: {  	_ = 	snop  }
0xc9: {  	[tilespmem:s14], [sflag:$0x2] =	stream.indirect.gather [hbm4b:s4+s15], $0x80, s30, s15, $0xb8;
	[tilespmem:$0x8400] =	vst v63  }
0xca: {  	_ =	swait.ge [sflag:s12], $0x2000  }
0xcb: {  	[sflag:s12] =	ssyncset.done $0x0  }
0xcc: {  	[sflag:s12] =	ssyncadd.s32 $0xFFFFE000  }
0xcd: {  	_ =	swait.ge [sflag:s9], $0x2000  }
0xce: {  	[sflag:s9] =	ssyncset.done $0x0  }
0xcf: {  	[sflag:s9] =	ssyncadd.s32 $0xFFFFE000  }
0xd0: {  	[tilespmem:s10], [sflag:$0x1] =	stream.indirect.gather [hbm4b:s3+s15], $0x80, s15, s15, $0xb8;
	[tilespmem:$0x8400] =	vst v63  }
0xd1: {  	_ = 	snop  }
0xd2: {  	[tilespmem:s11], [sflag:$0x2] =	stream.indirect.gather [hbm4b:s4+s15], $0x80, s23, s15, $0xb8;
	[tilespmem:$0x8400] =	vst v63  }
0xd3: {  	s0 =	rddreg [dreg:$0x5]  }
0xd4: {  	[hbm4b:s0+s2] =	stream.linear.scatter [tilespmem:s13], [sflag:$0x3], $0x2000, $0x38;
	[tilespmem:$0x8400] =	vst v63  }
0xd5: {  	s16 =	rddreg [dreg:$0x6]  }
0xd6: {  	[hbm4b:s16+s2] =	stream.linear.scatter [tilespmem:s14], [sflag:$0x4], $0x2000, $0x38;
	[tilespmem:$0x8400] =	vst v63  }
0xd7: {  	_ =	swait.ge [sflag:s12], $0x2000  }
0xd8: {  	[sflag:s12] =	ssyncset.done $0x0  }
0xd9: {  	[sflag:s12] =	ssyncadd.s32 $0xFFFFE000  }
0xda: {  	_ =	swait.ge [sflag:s9], $0x2000  }
0xdb: {  	[sflag:s9] =	ssyncset.done $0x0  }
0xdc: {  	[sflag:s9] =	ssyncadd.s32 $0xFFFFE000  }
0xdd: {  	_ =	swait.ge [sflag:s8], $0x2000  }
0xde: {  	[sflag:s8] =	ssyncset.done $0x0  }
0xdf: {  	[sflag:s8] =	ssyncadd.s32 $0xFFFFE000  }
0xe0: {  	_ =	swait.ge [sflag:s7], $0x2000  }
0xe1: {  	[sflag:s7] =	ssyncset.done $0x0  }
0xe2: {  	[sflag:s7] =	ssyncadd.s32 $0xFFFFE000  }
0xe3: {  	[tilespmem:s13], [sflag:$0x1] =	stream.indirect.gather [hbm4b:s3+s15], $0x80, s29, s15, $0xb8;
	[tilespmem:$0x8400] =	vst v63  }
0xe4: {  	_ = 	snop  }
0xe5: {  	[tilespmem:s14], [sflag:$0x2] =	stream.indirect.gather [hbm4b:s4+s15], $0x80, s28, s15, $0xb8;
	[tilespmem:$0x8400] =	vst v63  }
0xe6: {  	s0 =	rddreg [dreg:$0x7]  }
0xe7: {  	[hbm4b:s0+s2] =	stream.linear.scatter [tilespmem:s10], [sflag:$0x3], $0x2000, $0x38;
	[tilespmem:$0x8400] =	vst v63  }
0xe8: {  	s16 =	rddreg [dreg:$0x8]  }
0xe9: {  	[hbm4b:s16+s2] =	stream.linear.scatter [tilespmem:s11], [sflag:$0x4], $0x2000, $0x38;
	[tilespmem:$0x8400] =	vst v63  }
0xea: {  	_ =	swait.ge [sflag:s12], $0x2000  }
0xeb: {  	[sflag:s12] =	ssyncset.done $0x0  }
0xec: {  	[sflag:s12] =	ssyncadd.s32 $0xFFFFE000  }
0xed: {  	_ =	swait.ge [sflag:s9], $0x2000  }
0xee: {  	[sflag:s9] =	ssyncset.done $0x0  }
0xef: {  	[sflag:s9] =	ssyncadd.s32 $0xFFFFE000  }
0xf0: {  	_ =	swait.ge [sflag:s8], $0x2000  }
0xf1: {  	[sflag:s8] =	ssyncset.done $0x0  }
0xf2: {  	[sflag:s8] =	ssyncadd.s32 $0xFFFFE000  }
0xf3: {  	_ =	swait.ge [sflag:s7], $0x2000  }
0xf4: {  	[sflag:s7] =	ssyncset.done $0x0  }
0xf5: {  	[sflag:s7] =	ssyncadd.s32 $0xFFFFE000  }
0xf6: {  	[tilespmem:s10], [sflag:$0x1] =	stream.indirect.gather [hbm4b:s3+s15], $0x80, s26, s15, $0xb8;
	[tilespmem:$0x8400] =	vst v63  }
0xf7: {  	_ = 	snop  }
0xf8: {  	[tilespmem:s11], [sflag:$0x2] =	stream.indirect.gather [hbm4b:s4+s15], $0x80, s25, s15, $0xb8;
	[tilespmem:$0x8400] =	vst v63  }
0xf9: {  	s0 =	rddreg [dreg:$0x9]  }
0xfa: {  	[hbm4b:s0+s2] =	stream.linear.scatter [tilespmem:s13], [sflag:$0x3], $0x2000, $0x38;
	[tilespmem:$0x8400] =	vst v63  }
0xfb: {  	s16 =	rddreg [dreg:$0xa]  }
0xfc: {  	[hbm4b:s16+s2] =	stream.linear.scatter [tilespmem:s14], [sflag:$0x4], $0x2000, $0x38;
	[tilespmem:$0x8400] =	vst v63  }
0xfd: {  	_ =	swait.ge [sflag:s12], $0x2000  }
0xfe: {  	[sflag:s12] =	ssyncset.done $0x0  }
0xff: {  	[sflag:s12] =	ssyncadd.s32 $0xFFFFE000  }
0x100: {  	_ =	swait.ge [sflag:s9], $0x2000  }
0x101: {  	[sflag:s9] =	ssyncset.done $0x0  }
0x102: {  	[sflag:s9] =	ssyncadd.s32 $0xFFFFE000  }
0x103: {  	_ =	swait.ge [sflag:s8], $0x2000  }
0x104: {  	[sflag:s8] =	ssyncset.done $0x0  }
0x105: {  	[sflag:s8] =	ssyncadd.s32 $0xFFFFE000  }
0x106: {  	_ =	swait.ge [sflag:s7], $0x2000  }
0x107: {  	[sflag:s7] =	ssyncset.done $0x0  }
0x108: {  	[sflag:s7] =	ssyncadd.s32 $0xFFFFE000  }
0x109: {  	[tilespmem:s13], [sflag:$0x1] =	stream.indirect.gather [hbm4b:s3+s15], $0x80, s24, s15, $0xb8;
	[tilespmem:$0x8400] =	vst v63  }
0x10a: {  	s16 =	simm.s32 $0x300  }
0x10b: {  	[tilespmem:s14], [sflag:$0x2] =	stream.indirect.gather [hbm4b:s4+s15], $0x80, s16, s15, $0xb8;
	[tilespmem:$0x8400] =	vst v63  }
0x10c: {  	s0 =	rddreg [dreg:$0xb]  }
0x10d: {  	[hbm4b:s0+s2] =	stream.linear.scatter [tilespmem:s10], [sflag:$0x3], $0x2000, $0x38;
	[tilespmem:$0x8400] =	vst v63  }
0x10e: {  	s16 =	rddreg [dreg:$0xc]  }
0x10f: {  	[hbm4b:s16+s2] =	stream.linear.scatter [tilespmem:s11], [sflag:$0x4], $0x2000, $0x38;
	[tilespmem:$0x8400] =	vst v63  }
0x110: {  	_ =	swait.ge [sflag:s12], $0x2000  }
0x111: {  	[sflag:s12] =	ssyncset.done $0x0  }
0x112: {  	[sflag:s12] =	ssyncadd.s32 $0xFFFFE000  }
0x113: {  	_ =	swait.ge [sflag:s9], $0x2000  }
0x114: {  	[sflag:s9] =	ssyncset.done $0x0  }
0x115: {  	[sflag:s9] =	ssyncadd.s32 $0xFFFFE000  }
0x116: {  	_ =	swait.ge [sflag:s8], $0x2000  }
0x117: {  	[sflag:s8] =	ssyncset.done $0x0  }
0x118: {  	[sflag:s8] =	ssyncadd.s32 $0xFFFFE000  }
0x119: {  	_ =	swait.ge [sflag:s7], $0x2000  }
0x11a: {  	[sflag:s7] =	ssyncset.done $0x0  }
0x11b: {  	[sflag:s7] =	ssyncadd.s32 $0xFFFFE000  }
0x11c: {  	[tilespmem:s10], [sflag:$0x1] =	stream.indirect.gather [hbm4b:s3+s15], $0x80, s22, s15, $0xb8;
	[tilespmem:$0x8400] =	vst v63  }
0x11d: {  	_ = 	snop  }
0x11e: {  	[tilespmem:s11], [sflag:$0x2] =	stream.indirect.gather [hbm4b:s4+s15], $0x80, s21, s15, $0xb8;
	[tilespmem:$0x8400] =	vst v63  }
0x11f: {  	s0 =	rddreg [dreg:$0xd]  }
0x120: {  	[hbm4b:s0+s2] =	stream.linear.scatter [tilespmem:s13], [sflag:$0x3], $0x2000, $0x38;
	[tilespmem:$0x8400] =	vst v63  }
0x121: {  	s16 =	rddreg [dreg:$0xe]  }
0x122: {  	[hbm4b:s16+s2] =	stream.linear.scatter [tilespmem:s14], [sflag:$0x4], $0x2000, $0x38;
	[tilespmem:$0x8400] =	vst v63  }
0x123: {  	_ =	swait.ge [sflag:s12], $0x2000  }
0x124: {  	[sflag:s12] =	ssyncset.done $0x0  }
0x125: {  	[sflag:s12] =	ssyncadd.s32 $0xFFFFE000  }
0x126: {  	_ =	swait.ge [sflag:s9], $0x2000  }
0x127: {  	[sflag:s9] =	ssyncset.done $0x0  }
0x128: {  	[sflag:s9] =	ssyncadd.s32 $0xFFFFE000  }
0x129: {  	_ =	swait.ge [sflag:s8], $0x2000  }
0x12a: {  	[sflag:s8] =	ssyncset.done $0x0  }
0x12b: {  	[sflag:s8] =	ssyncadd.s32 $0xFFFFE000  }
0x12c: {  	_ =	swait.ge [sflag:s7], $0x2000  }
0x12d: {  	[sflag:s7] =	ssyncset.done $0x0  }
0x12e: {  	[sflag:s7] =	ssyncadd.s32 $0xFFFFE000  }
0x12f: {  	[tilespmem:s13], [sflag:$0x1] =	stream.indirect.gather [hbm4b:s3+s15], $0x80, s20, s15, $0xb8;
	[tilespmem:$0x8400] =	vst v63  }
0x130: {  	_ = 	snop  }
0x131: {  	[tilespmem:s14], [sflag:$0x2] =	stream.indirect.gather [hbm4b:s4+s15], $0x80, s19, s15, $0xb8;
	[tilespmem:$0x8400] =	vst v63  }
0x132: {  	s0 =	rddreg [dreg:$0xf]  }
0x133: {  	[hbm4b:s0+s2] =	stream.linear.scatter [tilespmem:s10], [sflag:$0x3], $0x2000, $0x38;
	[tilespmem:$0x8400] =	vst v63  }
0x134: {  	s16 =	rddreg [dreg:$0x10]  }
0x135: {  	[hbm4b:s16+s2] =	stream.linear.scatter [tilespmem:s11], [sflag:$0x4], $0x2000, $0x38;
	[tilespmem:$0x8400] =	vst v63  }
0x136: {  	_ =	swait.ge [sflag:s12], $0x2000  }
0x137: {  	[sflag:s12] =	ssyncset.done $0x0  }
0x138: {  	[sflag:s12] =	ssyncadd.s32 $0xFFFFE000  }
0x139: {  	_ =	swait.ge [sflag:s9], $0x2000  }
0x13a: {  	[sflag:s9] =	ssyncset.done $0x0  }
0x13b: {  	[sflag:s9] =	ssyncadd.s32 $0xFFFFE000  }
0x13c: {  	_ =	swait.ge [sflag:s8], $0x2000  }
0x13d: {  	[sflag:s8] =	ssyncset.done $0x0  }
0x13e: {  	[sflag:s8] =	ssyncadd.s32 $0xFFFFE000  }
0x13f: {  	_ =	swait.ge [sflag:s7], $0x2000  }
0x140: {  	[sflag:s7] =	ssyncset.done $0x0  }
0x141: {  	[sflag:s7] =	ssyncadd.s32 $0xFFFFE000  }
0x142: {  	[tilespmem:s10], [sflag:$0x1] =	stream.indirect.gather [hbm4b:s3+s15], $0x80, s18, s15, $0xb8;
	[tilespmem:$0x8400] =	vst v63  }
0x143: {  	_ = 	snop  }
0x144: {  	[tilespmem:s11], [sflag:$0x2] =	stream.indirect.gather [hbm4b:s4+s15], $0x80, s17, s15, $0xb8;
	[tilespmem:$0x8400] =	vst v63  }
0x145: {  	s0 =	rddreg [dreg:$0x11]  }
0x146: {  	[hbm4b:s0+s2] =	stream.linear.scatter [tilespmem:s13], [sflag:$0x3], $0x2000, $0x38;
	[tilespmem:$0x8400] =	vst v63  }
0x147: {  	s16 =	rddreg [dreg:$0x12]  }
0x148: {  	[hbm4b:s16+s2] =	stream.linear.scatter [tilespmem:s14], [sflag:$0x4], $0x2000, $0x38;
	[tilespmem:$0x8400] =	vst v63  }
0x149: {  	_ =	swait.ge [sflag:s12], $0x2000  }
0x14a: {  	[sflag:s12] =	ssyncset.done $0x0  }
0x14b: {  	[sflag:s12] =	ssyncadd.s32 $0xFFFFE000  }
0x14c: {  	_ =	swait.ge [sflag:s9], $0x2000  }
0x14d: {  	[sflag:s9] =	ssyncset.done $0x0  }
0x14e: {  	[sflag:s9] =	ssyncadd.s32 $0xFFFFE000  }
0x14f: {  	[hbm4b:s5+s2] =	stream.linear.scatter [tilespmem:s10], [sflag:$0x3], $0x2000, $0x38;
	[tilespmem:$0x8400] =	vst v63  }
0x150: {  	_ = 	snop  }
0x151: {  	[hbm4b:s6+s2] =	stream.linear.scatter [tilespmem:s11], [sflag:$0x4], $0x2000, $0x38;
	[tilespmem:$0x8400] =	vst v63  }
0x152: {  	_ =	swait.ge [sflag:s8], $0x2000  }
0x153: {  	[sflag:s8] =	ssyncset.done $0x0  }
0x154: {  	[sflag:s8] =	ssyncadd.s32 $0xFFFFE000  }
0x155: {  	_ =	swait.ge [sflag:s7], $0x2000  }
0x156: {  	[sflag:s7] =	ssyncset.done $0x0  }
0x157: {  	p1 =	sne.s32 s1, $0x1;
	[sflag:s7] =	ssyncadd.s32 $0xFFFFE000  }
.Ltmp2:
0x158: {  	_ =	swait.ge [sflag:s8], $0x2000;
	(pc) =	sbr.rel @p1 .LBB2_4-.Ltmp2, $4  }
0x159: {  	[sflag:s8] =	ssyncset.done $0x0  }
0x15a: {  	[sflag:s8] =	ssyncadd.s32 $0xFFFFE000  }
0x15b: {  	_ =	swait.ge [sflag:s7], $0x2000  }
0x15c: {  	s1 =	sadd.s32 $0xFFFFFFFF, s1;
	s0 =	rddreg [dreg:$0x3];
	[sflag:s7] =	ssyncset.done $0x0  }
0x15d: {  	s29 =	simm.s32 $0x80;
	s28 =	simm.s32 $0x280  }
0x15e: {  	s26 =	simm.s32 $0xC0;
	s25 =	simm.s32 $0x2C0;
	s24 =	simm.s32 $0x100  }
0x15f: {  	s23 =	simm.s32 $0x300;
	s22 =	simm.s32 $0x140;
	s21 =	simm.s32 $0x340  }
0x160: {  	s20 =	simm.s32 $0x180;
	s19 =	simm.s32 $0x380;
	s18 =	simm.s32 $0x1C0  }
0x161: {  	s17 =	simm.s32 $0x3C0;
	s16 =	stileid.u32;
	s1 =	simm.s32 $0x240  }
.LBB2_6:
0x162: {  	[sflag:s7] =	ssyncadd.s32 @p0 $0xFFFFE000  }
0x163: {  	[tilespmem:s2], [sflag:$0x5] =	stream.linear.gather [hbm4b:s0+s2], $0x200, $0x38;
	[tilespmem:$0x8400] =	vst v63  }
0x164: {  	_ =	swait.ge [sflag:s31], $0x200  }
0x165: {  	[sflag:s31] =	ssyncset.done $0x0  }
0x166: {  	s0 =	rddreg [dreg:$0x4];
	[sflag:s31] =	ssyncadd.s32 $0xFFFFFE00  }
0x167: {  	[tilespmem:s30], [sflag:$0x5] =	stream.linear.gather [hbm4b:s0+s2], $0x200, $0x38;
	[tilespmem:$0x8400] =	vst v63  }
0x168: {  	_ =	swait.ge [sflag:s31], $0x200  }
0x169: {  	[sflag:s31] =	ssyncset.done $0x0  }
0x16a: {  	[sflag:s31] =	ssyncadd.s32 $0xFFFFFE00  }
0x16b: {  	[tilespmem:s13], [sflag:$0x1] =	stream.indirect.gather [hbm4b:s3+s15], $0x80, s2, s15, $0xb8;
	[tilespmem:$0x8400] =	vst v63  }
0x16c: {  	_ = 	snop  }
0x16d: {  	[tilespmem:s14], [sflag:$0x2] =	stream.indirect.gather [hbm4b:s4+s15], $0x80, s30, s15, $0xb8;
	[tilespmem:$0x8400] =	vst v63  }
0x16e: {  	_ =	swait.ge [sflag:s12], $0x2000  }
0x16f: {  	[sflag:s12] =	ssyncset.done $0x0  }
0x170: {  	[sflag:s12] =	ssyncadd.s32 $0xFFFFE000  }
0x171: {  	_ =	swait.ge [sflag:s9], $0x2000  }
0x172: {  	[sflag:s9] =	ssyncset.done $0x0  }
0x173: {  	[sflag:s9] =	ssyncadd.s32 $0xFFFFE000  }
0x174: {  	[tilespmem:s10], [sflag:$0x1] =	stream.indirect.gather [hbm4b:s3+s15], $0x80, s15, s15, $0xb8;
	[tilespmem:$0x8400] =	vst v63  }
0x175: {  	_ = 	snop  }
0x176: {  	[tilespmem:s11], [sflag:$0x2] =	stream.indirect.gather [hbm4b:s4+s15], $0x80, s1, s15, $0xb8;
	[tilespmem:$0x8400] =	vst v63  }
0x177: {  	s30 =	rddreg [dreg:$0x5]  }
0x178: {  	[hbm4b:s30+s2] =	stream.linear.scatter [tilespmem:s13], [sflag:$0x3], $0x2000, $0x38;
	[tilespmem:$0x8400] =	vst v63  }
0x179: {  	s31 =	rddreg [dreg:$0x6]  }
0x17a: {  	[hbm4b:s31+s2] =	stream.linear.scatter [tilespmem:s14], [sflag:$0x4], $0x2000, $0x38;
	[tilespmem:$0x8400] =	vst v63  }
0x17b: {  	_ =	swait.ge [sflag:s12], $0x2000  }
0x17c: {  	[sflag:s12] =	ssyncset.done $0x0  }
0x17d: {  	[sflag:s12] =	ssyncadd.s32 $0xFFFFE000  }
0x17e: {  	_ =	swait.ge [sflag:s9], $0x2000  }
0x17f: {  	[sflag:s9] =	ssyncset.done $0x0  }
0x180: {  	[sflag:s9] =	ssyncadd.s32 $0xFFFFE000  }
0x181: {  	_ =	swait.ge [sflag:s8], $0x2000  }
0x182: {  	[sflag:s8] =	ssyncset.done $0x0  }
0x183: {  	[sflag:s8] =	ssyncadd.s32 $0xFFFFE000  }
0x184: {  	_ =	swait.ge [sflag:s7], $0x2000  }
0x185: {  	[sflag:s7] =	ssyncset.done $0x0  }
0x186: {  	[sflag:s7] =	ssyncadd.s32 $0xFFFFE000  }
0x187: {  	[tilespmem:s13], [sflag:$0x1] =	stream.indirect.gather [hbm4b:s3+s15], $0x80, s29, s15, $0xb8;
	[tilespmem:$0x8400] =	vst v63  }
0x188: {  	_ = 	snop  }
0x189: {  	[tilespmem:s14], [sflag:$0x2] =	stream.indirect.gather [hbm4b:s4+s15], $0x80, s28, s15, $0xb8;
	[tilespmem:$0x8400] =	vst v63  }
0x18a: {  	s1 =	rddreg [dreg:$0x7]  }
0x18b: {  	[hbm4b:s1+s2] =	stream.linear.scatter [tilespmem:s10], [sflag:$0x3], $0x2000, $0x38;
	[tilespmem:$0x8400] =	vst v63  }
0x18c: {  	s29 =	rddreg [dreg:$0x8]  }
0x18d: {  	[hbm4b:s29+s2] =	stream.linear.scatter [tilespmem:s11], [sflag:$0x4], $0x2000, $0x38;
	[tilespmem:$0x8400] =	vst v63  }
0x18e: {  	_ =	swait.ge [sflag:s12], $0x2000  }
0x18f: {  	[sflag:s12] =	ssyncset.done $0x0  }
0x190: {  	[sflag:s12] =	ssyncadd.s32 $0xFFFFE000  }
0x191: {  	_ =	swait.ge [sflag:s9], $0x2000  }
0x192: {  	[sflag:s9] =	ssyncset.done $0x0  }
0x193: {  	[sflag:s9] =	ssyncadd.s32 $0xFFFFE000  }
0x194: {  	_ =	swait.ge [sflag:s8], $0x2000  }
0x195: {  	[sflag:s8] =	ssyncset.done $0x0  }
0x196: {  	[sflag:s8] =	ssyncadd.s32 $0xFFFFE000  }
0x197: {  	_ =	swait.ge [sflag:s7], $0x2000  }
0x198: {  	[sflag:s7] =	ssyncset.done $0x0  }
0x199: {  	[sflag:s7] =	ssyncadd.s32 $0xFFFFE000  }
0x19a: {  	[tilespmem:s10], [sflag:$0x1] =	stream.indirect.gather [hbm4b:s3+s15], $0x80, s26, s15, $0xb8;
	[tilespmem:$0x8400] =	vst v63  }
0x19b: {  	_ = 	snop  }
0x19c: {  	[tilespmem:s11], [sflag:$0x2] =	stream.indirect.gather [hbm4b:s4+s15], $0x80, s25, s15, $0xb8;
	[tilespmem:$0x8400] =	vst v63  }
0x19d: {  	s30 =	rddreg [dreg:$0x9]  }
0x19e: {  	[hbm4b:s30+s2] =	stream.linear.scatter [tilespmem:s13], [sflag:$0x3], $0x2000, $0x38;
	[tilespmem:$0x8400] =	vst v63  }
0x19f: {  	s31 =	rddreg [dreg:$0xa]  }
0x1a0: {  	[hbm4b:s31+s2] =	stream.linear.scatter [tilespmem:s14], [sflag:$0x4], $0x2000, $0x38;
	[tilespmem:$0x8400] =	vst v63  }
0x1a1: {  	_ =	swait.ge [sflag:s12], $0x2000  }
0x1a2: {  	[sflag:s12] =	ssyncset.done $0x0  }
0x1a3: {  	[sflag:s12] =	ssyncadd.s32 $0xFFFFE000  }
0x1a4: {  	_ =	swait.ge [sflag:s9], $0x2000  }
0x1a5: {  	[sflag:s9] =	ssyncset.done $0x0  }
0x1a6: {  	[sflag:s9] =	ssyncadd.s32 $0xFFFFE000  }
0x1a7: {  	_ =	swait.ge [sflag:s8], $0x2000  }
0x1a8: {  	[sflag:s8] =	ssyncset.done $0x0  }
0x1a9: {  	[sflag:s8] =	ssyncadd.s32 $0xFFFFE000  }
0x1aa: {  	_ =	swait.ge [sflag:s7], $0x2000  }
0x1ab: {  	[sflag:s7] =	ssyncset.done $0x0  }
0x1ac: {  	[sflag:s7] =	ssyncadd.s32 $0xFFFFE000  }
0x1ad: {  	[tilespmem:s13], [sflag:$0x1] =	stream.indirect.gather [hbm4b:s3+s15], $0x80, s24, s15, $0xb8;
	[tilespmem:$0x8400] =	vst v63  }
0x1ae: {  	_ = 	snop  }
0x1af: {  	[tilespmem:s14], [sflag:$0x2] =	stream.indirect.gather [hbm4b:s4+s15], $0x80, s23, s15, $0xb8;
	[tilespmem:$0x8400] =	vst v63  }
0x1b0: {  	s1 =	rddreg [dreg:$0xb]  }
0x1b1: {  	[hbm4b:s1+s2] =	stream.linear.scatter [tilespmem:s10], [sflag:$0x3], $0x2000, $0x38;
	[tilespmem:$0x8400] =	vst v63  }
0x1b2: {  	s24 =	rddreg [dreg:$0xc]  }
0x1b3: {  	[hbm4b:s24+s2] =	stream.linear.scatter [tilespmem:s11], [sflag:$0x4], $0x2000, $0x38;
	[tilespmem:$0x8400] =	vst v63  }
0x1b4: {  	_ =	swait.ge [sflag:s12], $0x2000  }
0x1b5: {  	[sflag:s12] =	ssyncset.done $0x0  }
0x1b6: {  	[sflag:s12] =	ssyncadd.s32 $0xFFFFE000  }
0x1b7: {  	_ =	swait.ge [sflag:s9], $0x2000  }
0x1b8: {  	[sflag:s9] =	ssyncset.done $0x0  }
0x1b9: {  	[sflag:s9] =	ssyncadd.s32 $0xFFFFE000  }
0x1ba: {  	_ =	swait.ge [sflag:s8], $0x2000  }
0x1bb: {  	[sflag:s8] =	ssyncset.done $0x0  }
0x1bc: {  	[sflag:s8] =	ssyncadd.s32 $0xFFFFE000  }
0x1bd: {  	_ =	swait.ge [sflag:s7], $0x2000  }
0x1be: {  	[sflag:s7] =	ssyncset.done $0x0  }
0x1bf: {  	[sflag:s7] =	ssyncadd.s32 $0xFFFFE000  }
0x1c0: {  	[tilespmem:s10], [sflag:$0x1] =	stream.indirect.gather [hbm4b:s3+s15], $0x80, s22, s15, $0xb8;
	[tilespmem:$0x8400] =	vst v63  }
0x1c1: {  	_ = 	snop  }
0x1c2: {  	[tilespmem:s11], [sflag:$0x2] =	stream.indirect.gather [hbm4b:s4+s15], $0x80, s21, s15, $0xb8;
	[tilespmem:$0x8400] =	vst v63  }
0x1c3: {  	s25 =	rddreg [dreg:$0xd]  }
0x1c4: {  	[hbm4b:s25+s2] =	stream.linear.scatter [tilespmem:s13], [sflag:$0x3], $0x2000, $0x38;
	[tilespmem:$0x8400] =	vst v63  }
0x1c5: {  	s26 =	rddreg [dreg:$0xe]  }
0x1c6: {  	[hbm4b:s26+s2] =	stream.linear.scatter [tilespmem:s14], [sflag:$0x4], $0x2000, $0x38;
	[tilespmem:$0x8400] =	vst v63  }
0x1c7: {  	_ =	swait.ge [sflag:s12], $0x2000  }
0x1c8: {  	[sflag:s12] =	ssyncset.done $0x0  }
0x1c9: {  	[sflag:s12] =	ssyncadd.s32 $0xFFFFE000  }
0x1ca: {  	_ =	swait.ge [sflag:s9], $0x2000  }
0x1cb: {  	[sflag:s9] =	ssyncset.done $0x0  }
0x1cc: {  	[sflag:s9] =	ssyncadd.s32 $0xFFFFE000  }
0x1cd: {  	_ =	swait.ge [sflag:s8], $0x2000  }
0x1ce: {  	[sflag:s8] =	ssyncset.done $0x0  }
0x1cf: {  	[sflag:s8] =	ssyncadd.s32 $0xFFFFE000  }
0x1d0: {  	_ =	swait.ge [sflag:s7], $0x2000  }
0x1d1: {  	[sflag:s7] =	ssyncset.done $0x0  }
0x1d2: {  	[sflag:s7] =	ssyncadd.s32 $0xFFFFE000  }
0x1d3: {  	[tilespmem:s13], [sflag:$0x1] =	stream.indirect.gather [hbm4b:s3+s15], $0x80, s20, s15, $0xb8;
	[tilespmem:$0x8400] =	vst v63  }
0x1d4: {  	_ = 	snop  }
0x1d5: {  	[tilespmem:s14], [sflag:$0x2] =	stream.indirect.gather [hbm4b:s4+s15], $0x80, s19, s15, $0xb8;
	[tilespmem:$0x8400] =	vst v63  }
0x1d6: {  	s28 =	rddreg [dreg:$0xf]  }
0x1d7: {  	[hbm4b:s28+s2] =	stream.linear.scatter [tilespmem:s10], [sflag:$0x3], $0x2000, $0x38;
	[tilespmem:$0x8400] =	vst v63  }
0x1d8: {  	s29 =	rddreg [dreg:$0x10]  }
0x1d9: {  	[hbm4b:s29+s2] =	stream.linear.scatter [tilespmem:s11], [sflag:$0x4], $0x2000, $0x38;
	[tilespmem:$0x8400] =	vst v63  }
0x1da: {  	_ =	swait.ge [sflag:s12], $0x2000  }
0x1db: {  	[sflag:s12] =	ssyncset.done $0x0  }
0x1dc: {  	[sflag:s12] =	ssyncadd.s32 $0xFFFFE000  }
0x1dd: {  	_ =	swait.ge [sflag:s9], $0x2000  }
0x1de: {  	[sflag:s9] =	ssyncset.done $0x0  }
0x1df: {  	[sflag:s9] =	ssyncadd.s32 $0xFFFFE000  }
0x1e0: {  	_ =	swait.ge [sflag:s8], $0x2000  }
0x1e1: {  	[sflag:s8] =	ssyncset.done $0x0  }
0x1e2: {  	[sflag:s8] =	ssyncadd.s32 $0xFFFFE000  }
0x1e3: {  	_ =	swait.ge [sflag:s7], $0x2000  }
0x1e4: {  	[sflag:s7] =	ssyncset.done $0x0  }
0x1e5: {  	[sflag:s7] =	ssyncadd.s32 $0xFFFFE000  }
0x1e6: {  	[tilespmem:s10], [sflag:$0x1] =	stream.indirect.gather [hbm4b:s3+s15], $0x80, s18, s15, $0xb8;
	[tilespmem:$0x8400] =	vst v63  }
0x1e7: {  	_ = 	snop  }
0x1e8: {  	[tilespmem:s11], [sflag:$0x2] =	stream.indirect.gather [hbm4b:s4+s15], $0x80, s17, s15, $0xb8;
	[tilespmem:$0x8400] =	vst v63  }
0x1e9: {  	s30 =	rddreg [dreg:$0x11]  }
0x1ea: {  	[hbm4b:s30+s2] =	stream.linear.scatter [tilespmem:s13], [sflag:$0x3], $0x2000, $0x38;
	[tilespmem:$0x8400] =	vst v63  }
0x1eb: {  	s31 =	rddreg [dreg:$0x12]  }
0x1ec: {  	[hbm4b:s31+s2] =	stream.linear.scatter [tilespmem:s14], [sflag:$0x4], $0x2000, $0x38;
	[tilespmem:$0x8400] =	vst v63  }
0x1ed: {  	_ =	swait.ge [sflag:s12], $0x2000  }
0x1ee: {  	[sflag:s12] =	ssyncset.done $0x0  }
0x1ef: {  	[sflag:s12] =	ssyncadd.s32 $0xFFFFE000  }
0x1f0: {  	_ =	swait.ge [sflag:s9], $0x2000  }
0x1f1: {  	[sflag:s9] =	ssyncset.done $0x0  }
0x1f2: {  	[sflag:s9] =	ssyncadd.s32 $0xFFFFE000  }
0x1f3: {  	[hbm4b:s5+s2] =	stream.linear.scatter [tilespmem:s10], [sflag:$0x3], $0x2000, $0x38;
	[tilespmem:$0x8400] =	vst v63  }
0x1f4: {  	_ = 	snop  }
0x1f5: {  	[hbm4b:s6+s2] =	stream.linear.scatter [tilespmem:s11], [sflag:$0x4], $0x2000, $0x38;
	[tilespmem:$0x8400] =	vst v63  }
0x1f6: {  	_ =	swait.ge [sflag:s8], $0x2000  }
0x1f7: {  	[sflag:s8] =	ssyncset.done $0x0  }
0x1f8: {  	[sflag:s8] =	ssyncadd.s32 $0xFFFFE000  }
0x1f9: {  	_ =	swait.ge [sflag:s7], $0x2000  }
0x1fa: {  	[sflag:s7] =	ssyncset.done $0x0  }
0x1fb: {  	[sflag:s7] =	ssyncadd.s32 $0xFFFFE000  }
0x1fc: {  	_ =	swait.ge [sflag:s8], $0x2000  }
0x1fd: {  	[sflag:s8] =	ssyncset.done $0x0  }
0x1fe: {  	[sflag:s8] =	ssyncadd.s32 $0xFFFFE000  }
0x1ff: {  	_ =	swait.ge [sflag:s7], $0x2000  }
0x200: {  	[sflag:s7] =	ssyncset.done $0x0  }
0x201: {  	[sflag:s7] =	ssyncadd.s32 $0xFFFFE000  }
0x202: {  	_ =	sfence.sel $0x180000  }
0x203: {  	[bflag:$0x0] =	sbarrier.arrive $0xFFFF  }
0x204: {  	_ =	strace $0x90000047  }
0x205: {  	[bflag:$0x2] =	sbarrier.arrive $0xFFFF  }
0x206: {  	p0 =	sne.s32 s16, $0x0;
	s0 =	rddreg [dreg:$0x2]  }
0x207: {  	s0 =	sadd.s32 @!p0 $0x100000, s0  }
0x208: {  	[sflag:s0] =	ssyncadd.tile.s32 @!p0 $0x1;
	_ =	shalt  }
.LBB2_1:
.Ltmp3:
0x209: {  	(pc) =	sbr.rel .LBB2_6-.Ltmp3, $4  }
0x20a: {  	s29 =	simm.s32 $0x80;
	s28 =	simm.s32 $0x280;
	s26 =	simm.s32 $0xC0  }
0x20b: {  	s25 =	simm.s32 $0x2C0;
	s24 =	simm.s32 $0x100;
	s23 =	simm.s32 $0x300  }
0x20c: {  	s22 =	simm.s32 $0x140;
	s21 =	simm.s32 $0x340;
	s20 =	simm.s32 $0x180  }
0x20d: {  	s19 =	simm.s32 $0x380;
	s18 =	simm.s32 $0x1C0;
	s17 =	simm.s32 $0x3C0  }
.LBB2_3:
.Ltmp4:
0x20e: {  	s29 =	simm.s32 $0x80;
	s28 =	simm.s32 $0x280;
	(pc) =	sbr.rel .LBB2_6-.Ltmp4, $4  }
0x20f: {  	s26 =	simm.s32 $0xC0;
	s25 =	simm.s32 $0x2C0;
	s24 =	simm.s32 $0x100  }
0x210: {  	s23 =	simm.s32 $0x300;
	s22 =	simm.s32 $0x140;
	s21 =	simm.s32 $0x340  }
0x211: {  	s20 =	simm.s32 $0x180;
	s19 =	simm.s32 $0x380;
	s18 =	simm.s32 $0x1C0  }
0x212: {  	s17 =	simm.s32 $0x3C0;
	s16 =	stileid.u32;
	s1 =	simm.s32 $0x240  }
.Lfunc_end2:
_tile_overlayer_lowered:
.L_overlay_start_2:
0x213: {  	(tag) =	ssettag $0x2  }
0x214: {  	s0 =	rddreg [dreg:$0x0];
	s2 =	stileid.u32  }
0x215: {  	s1 =	rddreg [dreg:$0x1];
	p0 =	sne.s32 s2, $0x0  }
0x216: {  	s3 =	rddreg [dreg:$0x2];
	[bflag:$0x3] =	sbarrier.arrive $0xFFFF;
	s2 =	simm.s32 @!p0 $0x1C05  }
0x217: {  	[timem:s3], [sflag:s2] =	dma.local @!p0 [hbm:s0], s1  }
0x218: {  	s0 =	simm.s32 @!p0 $0x5  }
0x219: {  	_ =	swait.ge @!p0 [sflag:s0], s1  }
0x21a: {  	s1 =	ssub.s32 @!p0 $0x0, s1;
	[sflag:s0] =	ssyncset.done @!p0 $0x0  }
0x21b: {  	[sflag:s0] =	ssyncadd.s32 @!p0 s1  }
0x21c: {  	[bflag:$0x3] =	sbarrier.arrive $0xFFFF  }
0x21d: {  	_ =	shalt  }

</sc_bundles>
